<compile_context>
chip_gen: v7x
topology: tpu7x:2x2x1
jax: 0.10.2.dev20260603
libtpu: 0.0.44.dev20260713+nightly
codegen_flags: <defaults>
</compile_context>

<pallas_src>
import functools

import jax
import jax.numpy as jnp
from jax import lax
from jax.experimental import pallas as pl
from jax.experimental.pallas import tpu as pltpu
from jax.experimental.pallas import tpu_sc as plsc

B = 16384
D = 64
D2 = 128
NW = 32
BPW = B // NW
CH = 128
NCH = BPW // CH
BT = 2048
CT = 16384


def _rne16(u):
    return u + 0x7FFF + ((u >> 16) & 1)


def _pack_pairs(y):
    h = CT // 2
    return ((_rne16(y[:, :h]) >> 16) & 0xFFFF) | (_rne16(y[:, h:]) & ~0xFFFF)


def _packT_body(ta, tb, out):
    wa = _pack_pairs(lax.bitcast_convert_type(ta[...], jnp.int32))
    wb = _pack_pairs(lax.bitcast_convert_type(tb[...], jnp.int32))
    out[...] = jnp.concatenate((wa.T, wb.T), axis=1)


@functools.lru_cache(maxsize=4)
def _get_packT(n):
    return pl.pallas_call(
        _packT_body,
        grid=(pl.cdiv(n, CT),),
        in_specs=[
            pl.BlockSpec((D, CT), lambda i: (0, i)),
            pl.BlockSpec((D, CT), lambda i: (0, i)),
        ],
        out_specs=pl.BlockSpec((CT // 2, D2), lambda i: (i, 0)),
        out_shape=jax.ShapeDtypeStruct((pl.cdiv(n, CT) * (CT // 2), D2),
                                       jnp.int32),
    )


def _gather1_body(idx_hbm, table, out, idx_v, buf0, buf1, sem0, sem1):
    wid = lax.axis_index("s") * 2 + lax.axis_index("c")
    pltpu.sync_copy(idx_hbm.at[wid], idx_v)
    base = wid * BPW

    bufs = (buf0, buf1)
    sems = (sem0, sem1)
    prev = pltpu.async_copy(table.at[idx_v.at[0]], bufs[0], sems[0])
    for j in range(1, NCH):
        cur = pltpu.async_copy(table.at[idx_v.at[j]], bufs[j % 2], sems[j % 2])
        prev.wait()
        pltpu.sync_copy(bufs[(j - 1) % 2], out.at[pl.ds(base + (j - 1) * CH, CH)])
        prev = cur
    prev.wait()
    pltpu.sync_copy(bufs[(NCH - 1) % 2], out.at[pl.ds(base + (NCH - 1) * CH, CH)])


@functools.lru_cache(maxsize=1)
def _get_gather1():
    mesh = plsc.VectorSubcoreMesh(core_axis_name="c", subcore_axis_name="s")
    return pl.kernel(
        _gather1_body,
        mesh=mesh,
        out_type=jax.ShapeDtypeStruct((B, D2), jnp.int32),
        scratch_types=[
            pltpu.VMEM((NCH, CH), jnp.int32),
            pltpu.VMEM((CH, D2), jnp.int32),
            pltpu.VMEM((CH, D2), jnp.int32),
            pltpu.SemaphoreType.DMA,
            pltpu.SemaphoreType.DMA,
        ],
    )


def _unpack_half(x, par):
    sel = jnp.where(par > 0, x & ~0xFFFF, x << 16)
    return lax.bitcast_convert_type(sel, jnp.float32)


def _fuse_body(u, i, up, ip, w1a, w1b, b1, wg, wm, bo, out):
    uf = _unpack_half(u[...], up[...])
    if_ = _unpack_half(i[...], ip[...])
    ug = uf[:, :D]
    um = uf[:, D:]
    ig = if_[:, :D]
    im = if_[:, D:]
    h = jnp.dot(um, w1a[...], preferred_element_type=jnp.float32)
    h = h + jnp.dot(im, w1b[...], preferred_element_type=jnp.float32)
    h = jnp.maximum(h + b1[...], 0.0)
    g = ug * ig
    out[...] = (jnp.dot(g, wg[...], preferred_element_type=jnp.float32)
                + jnp.dot(h, wm[...], preferred_element_type=jnp.float32)
                + bo[...])


@functools.lru_cache(maxsize=1)
def _get_fuse():
    return pl.pallas_call(
        _fuse_body,
        grid=(B // BT,),
        in_specs=[
            pl.BlockSpec((BT, D2), lambda i: (i, 0)),
            pl.BlockSpec((BT, D2), lambda i: (i, 0)),
            pl.BlockSpec((BT, 1), lambda i: (i, 0)),
            pl.BlockSpec((BT, 1), lambda i: (i, 0)),
            pl.BlockSpec((D, D), lambda i: (0, 0)),
            pl.BlockSpec((D, D), lambda i: (0, 0)),
            pl.BlockSpec((1, D), lambda i: (0, 0)),
            pl.BlockSpec((D, 1), lambda i: (0, 0)),
            pl.BlockSpec((D, 1), lambda i: (0, 0)),
            pl.BlockSpec((1, 1), lambda i: (0, 0)),
        ],
        out_specs=pl.BlockSpec((BT, 1), lambda i: (i, 0)),
        out_shape=jax.ShapeDtypeStruct((B, 1), jnp.float32),
    )


def kernel(user_indices, item_indices, user_emb_ncf, item_emb_ncf,
           user_emb_mlp, item_emb_mlp, W1, b1, W_out, b_out):
    ui = user_indices.astype(jnp.int32)
    ii = item_indices.astype(jnp.int32)
    H = CT // 2
    ujdx = ((ui // CT) * H + (ui % H)).reshape(NW, NCH, CH)
    ijdx = ((ii // CT) * H + (ii % H)).reshape(NW, NCH, CH)
    upar = ((ui % CT) // H).reshape(B, 1)
    ipar = ((ii % CT) // H).reshape(B, 1)
    nu = user_emb_ncf.shape[0]
    ni = item_emb_ncf.shape[0]
    t_i = _get_packT(ni)(item_emb_ncf.T, item_emb_mlp.T)
    g = _get_gather1()
    i = g(ijdx, t_i)
    t_u = _get_packT(nu)(user_emb_ncf.T, user_emb_mlp.T)
    u = g(ujdx, t_u)
    return _get_fuse()(u, i, upar, ipar, W1[:D], W1[D:], b1.reshape(1, D),
                       W_out[:D], W_out[D:], b_out.reshape(1, 1))

# --- scband reference (transcript-rebuilt; emitter-appended) ---
"""Pipeline reference for scband-neu-mf-81570018886308 (READ-ONLY COPY).

The authoritative reference and input builder live on the scoring server;
editing this copy changes nothing except your own understanding.
"""

import jax, jax.numpy as jnp
import numpy as np

NUM_USERS = 1000000
NUM_ITEMS = 100000
LATENT_DIM = 64
HIDDEN_DIM = 64
BATCH = 16384


def setup_inputs(seed: int = 0) -> dict:
    key = jax.random.key(seed)
    ks = jax.random.split(key, 10)
    return {
        "user_indices": jax.random.randint(ks[0], (BATCH,), 0, NUM_USERS),
        "item_indices": jax.random.randint(ks[1], (BATCH,), 0, NUM_ITEMS),
        "user_emb_ncf": jax.random.normal(ks[2], (NUM_USERS, LATENT_DIM), jnp.float32) * 0.01,
        "item_emb_ncf": jax.random.normal(ks[3], (NUM_ITEMS, LATENT_DIM), jnp.float32) * 0.01,
        "user_emb_mlp": jax.random.normal(ks[4], (NUM_USERS, HIDDEN_DIM), jnp.float32) * 0.01,
        "item_emb_mlp": jax.random.normal(ks[5], (NUM_ITEMS, HIDDEN_DIM), jnp.float32) * 0.01,
        "W1": jax.random.normal(ks[6], (2 * HIDDEN_DIM, HIDDEN_DIM), jnp.float32) * 0.05,
        "b1": jnp.zeros((HIDDEN_DIM,), jnp.float32),
        "W_out": jax.random.normal(ks[7], (LATENT_DIM + HIDDEN_DIM, 1), jnp.float32) * 0.05,
        "b_out": jnp.zeros((1,), jnp.float32),
    }


def reference(user_indices, item_indices, user_emb_ncf, item_emb_ncf, user_emb_mlp, item_emb_mlp, W1, b1, W_out, b_out):
    # GMF branch: elementwise product of NCF embeddings
    u_g = jnp.take(user_emb_ncf, user_indices, axis=0)
    i_g = jnp.take(item_emb_ncf, item_indices, axis=0)
    gmf_vec = u_g * i_g
    # MLP branch: concat of MLP embeddings -> hidden layer
    u_m = jnp.take(user_emb_mlp, user_indices, axis=0)
    i_m = jnp.take(item_emb_mlp, item_indices, axis=0)
    mlp_in = jnp.concatenate([u_m, i_m], axis=-1)
    mlp_vec = jax.nn.relu(mlp_in @ W1 + b1)
    # NeuMF fusion: concat GMF and MLP vectors -> prediction head
    fused = jnp.concatenate([gmf_vec, mlp_vec], axis=-1)
    logits = fused @ W_out + b_out
    return logits

if __name__ == "__main__":
    import jax
    _d = setup_inputs()
    print(jax.jit(kernel)(*tuple(_d.values())))

</pallas_src>

<mosaic_0001>
#map = affine_map<(d0, d1) -> (0, 0, 0)>
#map1 = affine_map<(d0, d1) -> (0, 0)>
module attributes {stable_mosaic.version = 14 : i64} {
  func.func @_gather1_body(%arg0: i32, %arg1: i32, %arg2: memref<32x4x128xi32, #tpu.memory_space<hbm>>, %arg3: memref<507904x128xi32, #tpu.memory_space<hbm>>, %arg4: memref<16384x128xi32, #tpu.memory_space<hbm>>, %arg5: memref<4x128xi32, #tpu.memory_space<vmem>>, %arg6: memref<128x128xi32, #tpu.memory_space<vmem>>, %arg7: memref<128x128xi32, #tpu.memory_space<vmem>>, %arg8: memref<!tpu.dma_semaphore, #tpu.memory_space<semaphore_mem>>, %arg9: memref<!tpu.dma_semaphore, #tpu.memory_space<semaphore_mem>>) attributes {dimension_semantics = [#tpu.dimension_semantics<core_parallel>, #tpu.dimension_semantics<subcore_parallel>], iteration_bounds = array<i64: 2, 16>, scalar_prefetch = 0 : i64, scratch_operands = 5 : i64, tpu.core_type = #tpu.core_type<sc_vector_subcore>, window_params = [{transform_indices = #map}, {transform_indices = #map1}, {transform_indices = #map1}]} {
    %mul3A = arith.constant 2 : i32
    %mul3A_0 = arith.muli %arg1, %mul3A : i32
    %add3A = arith.addi %mul3A_0, %arg0 : i32
    "tpu.region"() ({
      %run_scoped3A = tpu.sem_alloc : memref<!tpu.dma_semaphore, #tpu.memory_space<semaphore_mem>>
      %dma_start3A_65 = arith.constant 0 : i32
      %dma_start3A_66 = arith.constant 0 : i32
      %dma_start3A_67 = tpu.memref_slice %arg2[%add3A, %dma_start3A_65, %dma_start3A_66] : memref<32x4x128xi32, #tpu.memory_space<hbm>> -> memref<1x4x128xi32, #tpu.memory_space<hbm>>
      %dma_start3A_68 = tpu.memref_squeeze %dma_start3A_67 : memref<1x4x128xi32, #tpu.memory_space<hbm>> -> memref<4x128xi32, #tpu.memory_space<hbm>>
      %dma_start3A_69 = arith.constant 0 : i32
      %dma_start3A_70 = arith.constant 0 : i32
      %dma_start3A_71 = tpu.memref_slice %arg2[%add3A, %dma_start3A_69, %dma_start3A_70] : memref<32x4x128xi32, #tpu.memory_space<hbm>> -> memref<1x4x128xi32, #tpu.memory_space<hbm>>
      %dma_start3A_72 = tpu.memref_squeeze %dma_start3A_71 : memref<1x4x128xi32, #tpu.memory_space<hbm>> -> memref<4x128xi32, #tpu.memory_space<hbm>>
      tpu.enqueue_dma source(%dma_start3A_72 : memref<4x128xi32, #tpu.memory_space<hbm>>) target(%arg5 : memref<4x128xi32, #tpu.memory_space<vmem>>) target_semaphore(%run_scoped3A : memref<!tpu.dma_semaphore, #tpu.memory_space<semaphore_mem>>)
      %dma_wait3A_73 = arith.constant 0 : i32
      %dma_wait3A_74 = arith.constant 0 : i32
      %dma_wait3A_75 = tpu.memref_slice %arg2[%add3A, %dma_wait3A_73, %dma_wait3A_74] : memref<32x4x128xi32, #tpu.memory_space<hbm>> -> memref<1x4x128xi32, #tpu.memory_space<hbm>>
      %dma_wait3A_76 = tpu.memref_squeeze %dma_wait3A_75 : memref<1x4x128xi32, #tpu.memory_space<hbm>> -> memref<4x128xi32, #tpu.memory_space<hbm>>
      %dma_wait3A_77 = arith.constant 0 : i32
      %dma_wait3A_78 = arith.constant 0 : i32
      %dma_wait3A_79 = tpu.memref_slice %arg2[%add3A, %dma_wait3A_77, %dma_wait3A_78] : memref<32x4x128xi32, #tpu.memory_space<hbm>> -> memref<1x4x128xi32, #tpu.memory_space<hbm>>
      %dma_wait3A_80 = tpu.memref_squeeze %dma_wait3A_79 : memref<1x4x128xi32, #tpu.memory_space<hbm>> -> memref<4x128xi32, #tpu.memory_space<hbm>>
      tpu.wait_dma2 semaphore(%run_scoped3A : memref<!tpu.dma_semaphore, #tpu.memory_space<semaphore_mem>>) src(%dma_wait3A_80 : memref<4x128xi32, #tpu.memory_space<hbm>>) dst(%arg5 : memref<4x128xi32, #tpu.memory_space<vmem>>)
      tpu.yield
    }) : () -> ()
    %mul3A_1 = arith.constant 512 : i32
    %mul3A_2 = arith.muli %add3A, %mul3A_1 : i32
    %dma_start3A = arith.constant 0 : i32
    %dma_start3A_3 = arith.constant 0 : i32
    %dma_start3A_4 = tpu.memref_slice %arg5[%dma_start3A, %dma_start3A_3] : memref<4x128xi32, #tpu.memory_space<vmem>> -> memref<1x128xi32, #tpu.memory_space<vmem>>
    %dma_start3A_5 = tpu.memref_squeeze %dma_start3A_4 : memref<1x128xi32, #tpu.memory_space<vmem>> -> memref<128xi32, #tpu.memory_space<vmem>>
    %dma_start3A_6 = arith.constant 0 : i32
    %dma_start3A_7 = arith.constant 0 : i32
    %dma_start3A_8 = tpu.memref_slice %arg3[%dma_start3A_6, %dma_start3A_7] : memref<507904x128xi32, #tpu.memory_space<hbm>> -> memref<507904x128xi32, #tpu.memory_space<hbm>>
    tpu.enqueue_indirect_dma source(%dma_start3A_8 : memref<507904x128xi32, #tpu.memory_space<hbm>>) target(%arg6 : memref<128x128xi32, #tpu.memory_space<vmem>>) offsets(%dma_start3A_5 : memref<128xi32, #tpu.memory_space<vmem>>) semaphore(%arg8 : memref<!tpu.dma_semaphore, #tpu.memory_space<semaphore_mem>>)
    %dma_start3A_9 = arith.constant 1 : i32
    %dma_start3A_10 = arith.constant 0 : i32
    %dma_start3A_11 = tpu.memref_slice %arg5[%dma_start3A_9, %dma_start3A_10] : memref<4x128xi32, #tpu.memory_space<vmem>> -> memref<1x128xi32, #tpu.memory_space<vmem>>
    %dma_start3A_12 = tpu.memref_squeeze %dma_start3A_11 : memref<1x128xi32, #tpu.memory_space<vmem>> -> memref<128xi32, #tpu.memory_space<vmem>>
    %dma_start3A_13 = arith.constant 0 : i32
    %dma_start3A_14 = arith.constant 0 : i32
    %dma_start3A_15 = tpu.memref_slice %arg3[%dma_start3A_13, %dma_start3A_14] : memref<507904x128xi32, #tpu.memory_space<hbm>> -> memref<507904x128xi32, #tpu.memory_space<hbm>>
    tpu.enqueue_indirect_dma source(%dma_start3A_15 : memref<507904x128xi32, #tpu.memory_space<hbm>>) target(%arg7 : memref<128x128xi32, #tpu.memory_space<vmem>>) offsets(%dma_start3A_12 : memref<128xi32, #tpu.memory_space<vmem>>) semaphore(%arg9 : memref<!tpu.dma_semaphore, #tpu.memory_space<semaphore_mem>>)
    %dma_wait3A = arith.constant 0 : i32
    %dma_wait3A_16 = arith.constant 0 : i32
    %dma_wait3A_17 = tpu.memref_slice %arg5[%dma_wait3A, %dma_wait3A_16] : memref<4x128xi32, #tpu.memory_space<vmem>> -> memref<1x128xi32, #tpu.memory_space<vmem>>
    %dma_wait3A_18 = tpu.memref_squeeze %dma_wait3A_17 : memref<1x128xi32, #tpu.memory_space<vmem>> -> memref<128xi32, #tpu.memory_space<vmem>>
    %dma_wait3A_19 = arith.constant 0 : i32
    %dma_wait3A_20 = arith.constant 0 : i32
    %dma_wait3A_21 = tpu.memref_slice %arg3[%dma_wait3A_19, %dma_wait3A_20] : memref<507904x128xi32, #tpu.memory_space<hbm>> -> memref<507904x128xi32, #tpu.memory_space<hbm>>
    tpu.wait_indirect_dma semaphore(%arg8 : memref<!tpu.dma_semaphore, #tpu.memory_space<semaphore_mem>>) src(%dma_wait3A_21 : memref<507904x128xi32, #tpu.memory_space<hbm>>) dst(%arg6 : memref<128x128xi32, #tpu.memory_space<vmem>>)
    %add3A_22 = arith.constant 0 : i32
    %add3A_23 = arith.addi %mul3A_2, %add3A_22 : i32
    "tpu.region"() ({
      %run_scoped3A = tpu.sem_alloc : memref<!tpu.dma_semaphore, #tpu.memory_space<semaphore_mem>>
      %dma_start3A_65 = arith.constant 0 : i32
      %dma_start3A_66 = tpu.memref_slice %arg4[%add3A_23, %dma_start3A_65] : memref<16384x128xi32, #tpu.memory_space<hbm>> -> memref<128x128xi32, #tpu.memory_space<hbm>>
      %dma_start3A_67 = arith.constant 0 : i32
      %dma_start3A_68 = tpu.memref_slice %arg4[%add3A_23, %dma_start3A_67] : memref<16384x128xi32, #tpu.memory_space<hbm>> -> memref<128x128xi32, #tpu.memory_space<hbm>>
      tpu.enqueue_dma source(%arg6 : memref<128x128xi32, #tpu.memory_space<vmem>>) target(%dma_start3A_68 : memref<128x128xi32, #tpu.memory_space<hbm>>) target_semaphore(%run_scoped3A : memref<!tpu.dma_semaphore, #tpu.memory_space<semaphore_mem>>)
      %dma_wait3A_69 = arith.constant 0 : i32
      %dma_wait3A_70 = tpu.memref_slice %arg4[%add3A_23, %dma_wait3A_69] : memref<16384x128xi32, #tpu.memory_space<hbm>> -> memref<128x128xi32, #tpu.memory_space<hbm>>
      %dma_wait3A_71 = arith.constant 0 : i32
      %dma_wait3A_72 = tpu.memref_slice %arg4[%add3A_23, %dma_wait3A_71] : memref<16384x128xi32, #tpu.memory_space<hbm>> -> memref<128x128xi32, #tpu.memory_space<hbm>>
      tpu.wait_dma2 semaphore(%run_scoped3A : memref<!tpu.dma_semaphore, #tpu.memory_space<semaphore_mem>>) src(%arg6 : memref<128x128xi32, #tpu.memory_space<vmem>>) dst(%dma_wait3A_72 : memref<128x128xi32, #tpu.memory_space<hbm>>)
      tpu.yield
    }) : () -> ()
    %dma_start3A_24 = arith.constant 2 : i32
    %dma_start3A_25 = arith.constant 0 : i32
    %dma_start3A_26 = tpu.memref_slice %arg5[%dma_start3A_24, %dma_start3A_25] : memref<4x128xi32, #tpu.memory_space<vmem>> -> memref<1x128xi32, #tpu.memory_space<vmem>>
    %dma_start3A_27 = tpu.memref_squeeze %dma_start3A_26 : memref<1x128xi32, #tpu.memory_space<vmem>> -> memref<128xi32, #tpu.memory_space<vmem>>
    %dma_start3A_28 = arith.constant 0 : i32
    %dma_start3A_29 = arith.constant 0 : i32
    %dma_start3A_30 = tpu.memref_slice %arg3[%dma_start3A_28, %dma_start3A_29] : memref<507904x128xi32, #tpu.memory_space<hbm>> -> memref<507904x128xi32, #tpu.memory_space<hbm>>
    tpu.enqueue_indirect_dma source(%dma_start3A_30 : memref<507904x128xi32, #tpu.memory_space<hbm>>) target(%arg6 : memref<128x128xi32, #tpu.memory_space<vmem>>) offsets(%dma_start3A_27 : memref<128xi32, #tpu.memory_space<vmem>>) semaphore(%arg8 : memref<!tpu.dma_semaphore, #tpu.memory_space<semaphore_mem>>)
    %dma_wait3A_31 = arith.constant 1 : i32
    %dma_wait3A_32 = arith.constant 0 : i32
    %dma_wait3A_33 = tpu.memref_slice %arg5[%dma_wait3A_31, %dma_wait3A_32] : memref<4x128xi32, #tpu.memory_space<vmem>> -> memref<1x128xi32, #tpu.memory_space<vmem>>
    %dma_wait3A_34 = tpu.memref_squeeze %dma_wait3A_33 : memref<1x128xi32, #tpu.memory_space<vmem>> -> memref<128xi32, #tpu.memory_space<vmem>>
    %dma_wait3A_35 = arith.constant 0 : i32
    %dma_wait3A_36 = arith.constant 0 : i32
    %dma_wait3A_37 = tpu.memref_slice %arg3[%dma_wait3A_35, %dma_wait3A_36] : memref<507904x128xi32, #tpu.memory_space<hbm>> -> memref<507904x128xi32, #tpu.memory_space<hbm>>
    tpu.wait_indirect_dma semaphore(%arg9 : memref<!tpu.dma_semaphore, #tpu.memory_space<semaphore_mem>>) src(%dma_wait3A_37 : memref<507904x128xi32, #tpu.memory_space<hbm>>) dst(%arg7 : memref<128x128xi32, #tpu.memory_space<vmem>>)
    %add3A_38 = arith.constant 128 : i32
    %add3A_39 = arith.addi %mul3A_2, %add3A_38 : i32
    "tpu.region"() ({
      %run_scoped3A = tpu.sem_alloc : memref<!tpu.dma_semaphore, #tpu.memory_space<semaphore_mem>>
      %dma_start3A_65 = arith.constant 0 : i32
      %dma_start3A_66 = tpu.memref_slice %arg4[%add3A_39, %dma_start3A_65] : memref<16384x128xi32, #tpu.memory_space<hbm>> -> memref<128x128xi32, #tpu.memory_space<hbm>>
      %dma_start3A_67 = arith.constant 0 : i32
      %dma_start3A_68 = tpu.memref_slice %arg4[%add3A_39, %dma_start3A_67] : memref<16384x128xi32, #tpu.memory_space<hbm>> -> memref<128x128xi32, #tpu.memory_space<hbm>>
      tpu.enqueue_dma source(%arg7 : memref<128x128xi32, #tpu.memory_space<vmem>>) target(%dma_start3A_68 : memref<128x128xi32, #tpu.memory_space<hbm>>) target_semaphore(%run_scoped3A : memref<!tpu.dma_semaphore, #tpu.memory_space<semaphore_mem>>)
      %dma_wait3A_69 = arith.constant 0 : i32
      %dma_wait3A_70 = tpu.memref_slice %arg4[%add3A_39, %dma_wait3A_69] : memref<16384x128xi32, #tpu.memory_space<hbm>> -> memref<128x128xi32, #tpu.memory_space<hbm>>
      %dma_wait3A_71 = arith.constant 0 : i32
      %dma_wait3A_72 = tpu.memref_slice %arg4[%add3A_39, %dma_wait3A_71] : memref<16384x128xi32, #tpu.memory_space<hbm>> -> memref<128x128xi32, #tpu.memory_space<hbm>>
      tpu.wait_dma2 semaphore(%run_scoped3A : memref<!tpu.dma_semaphore, #tpu.memory_space<semaphore_mem>>) src(%arg7 : memref<128x128xi32, #tpu.memory_space<vmem>>) dst(%dma_wait3A_72 : memref<128x128xi32, #tpu.memory_space<hbm>>)
      tpu.yield
    }) : () -> ()
    %dma_start3A_40 = arith.constant 3 : i32
    %dma_start3A_41 = arith.constant 0 : i32
    %dma_start3A_42 = tpu.memref_slice %arg5[%dma_start3A_40, %dma_start3A_41] : memref<4x128xi32, #tpu.memory_space<vmem>> -> memref<1x128xi32, #tpu.memory_space<vmem>>
    %dma_start3A_43 = tpu.memref_squeeze %dma_start3A_42 : memref<1x128xi32, #tpu.memory_space<vmem>> -> memref<128xi32, #tpu.memory_space<vmem>>
    %dma_start3A_44 = arith.constant 0 : i32
    %dma_start3A_45 = arith.constant 0 : i32
    %dma_start3A_46 = tpu.memref_slice %arg3[%dma_start3A_44, %dma_start3A_45] : memref<507904x128xi32, #tpu.memory_space<hbm>> -> memref<507904x128xi32, #tpu.memory_space<hbm>>
    tpu.enqueue_indirect_dma source(%dma_start3A_46 : memref<507904x128xi32, #tpu.memory_space<hbm>>) target(%arg7 : memref<128x128xi32, #tpu.memory_space<vmem>>) offsets(%dma_start3A_43 : memref<128xi32, #tpu.memory_space<vmem>>) semaphore(%arg9 : memref<!tpu.dma_semaphore, #tpu.memory_space<semaphore_mem>>)
    %dma_wait3A_47 = arith.constant 2 : i32
    %dma_wait3A_48 = arith.constant 0 : i32
    %dma_wait3A_49 = tpu.memref_slice %arg5[%dma_wait3A_47, %dma_wait3A_48] : memref<4x128xi32, #tpu.memory_space<vmem>> -> memref<1x128xi32, #tpu.memory_space<vmem>>
    %dma_wait3A_50 = tpu.memref_squeeze %dma_wait3A_49 : memref<1x128xi32, #tpu.memory_space<vmem>> -> memref<128xi32, #tpu.memory_space<vmem>>
    %dma_wait3A_51 = arith.constant 0 : i32
    %dma_wait3A_52 = arith.constant 0 : i32
    %dma_wait3A_53 = tpu.memref_slice %arg3[%dma_wait3A_51, %dma_wait3A_52] : memref<507904x128xi32, #tpu.memory_space<hbm>> -> memref<507904x128xi32, #tpu.memory_space<hbm>>
    tpu.wait_indirect_dma semaphore(%arg8 : memref<!tpu.dma_semaphore, #tpu.memory_space<semaphore_mem>>) src(%dma_wait3A_53 : memref<507904x128xi32, #tpu.memory_space<hbm>>) dst(%arg6 : memref<128x128xi32, #tpu.memory_space<vmem>>)
    %add3A_54 = arith.constant 256 : i32
    %add3A_55 = arith.addi %mul3A_2, %add3A_54 : i32
    "tpu.region"() ({
      %run_scoped3A = tpu.sem_alloc : memref<!tpu.dma_semaphore, #tpu.memory_space<semaphore_mem>>
      %dma_start3A_65 = arith.constant 0 : i32
      %dma_start3A_66 = tpu.memref_slice %arg4[%add3A_55, %dma_start3A_65] : memref<16384x128xi32, #tpu.memory_space<hbm>> -> memref<128x128xi32, #tpu.memory_space<hbm>>
      %dma_start3A_67 = arith.constant 0 : i32
      %dma_start3A_68 = tpu.memref_slice %arg4[%add3A_55, %dma_start3A_67] : memref<16384x128xi32, #tpu.memory_space<hbm>> -> memref<128x128xi32, #tpu.memory_space<hbm>>
      tpu.enqueue_dma source(%arg6 : memref<128x128xi32, #tpu.memory_space<vmem>>) target(%dma_start3A_68 : memref<128x128xi32, #tpu.memory_space<hbm>>) target_semaphore(%run_scoped3A : memref<!tpu.dma_semaphore, #tpu.memory_space<semaphore_mem>>)
      %dma_wait3A_69 = arith.constant 0 : i32
      %dma_wait3A_70 = tpu.memref_slice %arg4[%add3A_55, %dma_wait3A_69] : memref<16384x128xi32, #tpu.memory_space<hbm>> -> memref<128x128xi32, #tpu.memory_space<hbm>>
      %dma_wait3A_71 = arith.constant 0 : i32
      %dma_wait3A_72 = tpu.memref_slice %arg4[%add3A_55, %dma_wait3A_71] : memref<16384x128xi32, #tpu.memory_space<hbm>> -> memref<128x128xi32, #tpu.memory_space<hbm>>
      tpu.wait_dma2 semaphore(%run_scoped3A : memref<!tpu.dma_semaphore, #tpu.memory_space<semaphore_mem>>) src(%arg6 : memref<128x128xi32, #tpu.memory_space<vmem>>) dst(%dma_wait3A_72 : memref<128x128xi32, #tpu.memory_space<hbm>>)
      tpu.yield
    }) : () -> ()
    %dma_wait3A_56 = arith.constant 3 : i32
    %dma_wait3A_57 = arith.constant 0 : i32
    %dma_wait3A_58 = tpu.memref_slice %arg5[%dma_wait3A_56, %dma_wait3A_57] : memref<4x128xi32, #tpu.memory_space<vmem>> -> memref<1x128xi32, #tpu.memory_space<vmem>>
    %dma_wait3A_59 = tpu.memref_squeeze %dma_wait3A_58 : memref<1x128xi32, #tpu.memory_space<vmem>> -> memref<128xi32, #tpu.memory_space<vmem>>
    %dma_wait3A_60 = arith.constant 0 : i32
    %dma_wait3A_61 = arith.constant 0 : i32
    %dma_wait3A_62 = tpu.memref_slice %arg3[%dma_wait3A_60, %dma_wait3A_61] : memref<507904x128xi32, #tpu.memory_space<hbm>> -> memref<507904x128xi32, #tpu.memory_space<hbm>>
    tpu.wait_indirect_dma semaphore(%arg9 : memref<!tpu.dma_semaphore, #tpu.memory_space<semaphore_mem>>) src(%dma_wait3A_62 : memref<507904x128xi32, #tpu.memory_space<hbm>>) dst(%arg7 : memref<128x128xi32, #tpu.memory_space<vmem>>)
    %add3A_63 = arith.constant 384 : i32
    %add3A_64 = arith.addi %mul3A_2, %add3A_63 : i32
    "tpu.region"() ({
      %run_scoped3A = tpu.sem_alloc : memref<!tpu.dma_semaphore, #tpu.memory_space<semaphore_mem>>
      %dma_start3A_65 = arith.constant 0 : i32
      %dma_start3A_66 = tpu.memref_slice %arg4[%add3A_64, %dma_start3A_65] : memref<16384x128xi32, #tpu.memory_space<hbm>> -> memref<128x128xi32, #tpu.memory_space<hbm>>
      %dma_start3A_67 = arith.constant 0 : i32
      %dma_start3A_68 = tpu.memref_slice %arg4[%add3A_64, %dma_start3A_67] : memref<16384x128xi32, #tpu.memory_space<hbm>> -> memref<128x128xi32, #tpu.memory_space<hbm>>
      tpu.enqueue_dma source(%arg7 : memref<128x128xi32, #tpu.memory_space<vmem>>) target(%dma_start3A_68 : memref<128x128xi32, #tpu.memory_space<hbm>>) target_semaphore(%run_scoped3A : memref<!tpu.dma_semaphore, #tpu.memory_space<semaphore_mem>>)
      %dma_wait3A_69 = arith.constant 0 : i32
      %dma_wait3A_70 = tpu.memref_slice %arg4[%add3A_64, %dma_wait3A_69] : memref<16384x128xi32, #tpu.memory_space<hbm>> -> memref<128x128xi32, #tpu.memory_space<hbm>>
      %dma_wait3A_71 = arith.constant 0 : i32
      %dma_wait3A_72 = tpu.memref_slice %arg4[%add3A_64, %dma_wait3A_71] : memref<16384x128xi32, #tpu.memory_space<hbm>> -> memref<128x128xi32, #tpu.memory_space<hbm>>
      tpu.wait_dma2 semaphore(%run_scoped3A : memref<!tpu.dma_semaphore, #tpu.memory_space<semaphore_mem>>) src(%arg7 : memref<128x128xi32, #tpu.memory_space<vmem>>) dst(%dma_wait3A_72 : memref<128x128xi32, #tpu.memory_space<hbm>>)
      tpu.yield
    }) : () -> ()
    return
  }
}

#map = affine_map<(d0, d1) -> (0, 0, 0)>
#map1 = affine_map<(d0, d1) -> (0, 0)>
module attributes {stable_mosaic.version = 14 : i64} {
  func.func @_gather1_body(%arg0: i32, %arg1: i32, %arg2: memref<32x4x128xi32, #tpu.memory_space<hbm>>, %arg3: memref<57344x128xi32, #tpu.memory_space<hbm>>, %arg4: memref<16384x128xi32, #tpu.memory_space<hbm>>, %arg5: memref<4x128xi32, #tpu.memory_space<vmem>>, %arg6: memref<128x128xi32, #tpu.memory_space<vmem>>, %arg7: memref<128x128xi32, #tpu.memory_space<vmem>>, %arg8: memref<!tpu.dma_semaphore, #tpu.memory_space<semaphore_mem>>, %arg9: memref<!tpu.dma_semaphore, #tpu.memory_space<semaphore_mem>>) attributes {dimension_semantics = [#tpu.dimension_semantics<core_parallel>, #tpu.dimension_semantics<subcore_parallel>], iteration_bounds = array<i64: 2, 16>, scalar_prefetch = 0 : i64, scratch_operands = 5 : i64, tpu.core_type = #tpu.core_type<sc_vector_subcore>, window_params = [{transform_indices = #map}, {transform_indices = #map1}, {transform_indices = #map1}]} {
    %mul3A = arith.constant 2 : i32
    %mul3A_0 = arith.muli %arg1, %mul3A : i32
    %add3A = arith.addi %mul3A_0, %arg0 : i32
    "tpu.region"() ({
      %run_scoped3A = tpu.sem_alloc : memref<!tpu.dma_semaphore, #tpu.memory_space<semaphore_mem>>
      %dma_start3A_65 = arith.constant 0 : i32
      %dma_start3A_66 = arith.constant 0 : i32
      %dma_start3A_67 = tpu.memref_slice %arg2[%add3A, %dma_start3A_65, %dma_start3A_66] : memref<32x4x128xi32, #tpu.memory_space<hbm>> -> memref<1x4x128xi32, #tpu.memory_space<hbm>>
      %dma_start3A_68 = tpu.memref_squeeze %dma_start3A_67 : memref<1x4x128xi32, #tpu.memory_space<hbm>> -> memref<4x128xi32, #tpu.memory_space<hbm>>
      %dma_start3A_69 = arith.constant 0 : i32
      %dma_start3A_70 = arith.constant 0 : i32
      %dma_start3A_71 = tpu.memref_slice %arg2[%add3A, %dma_start3A_69, %dma_start3A_70] : memref<32x4x128xi32, #tpu.memory_space<hbm>> -> memref<1x4x128xi32, #tpu.memory_space<hbm>>
      %dma_start3A_72 = tpu.memref_squeeze %dma_start3A_71 : memref<1x4x128xi32, #tpu.memory_space<hbm>> -> memref<4x128xi32, #tpu.memory_space<hbm>>
      tpu.enqueue_dma source(%dma_start3A_72 : memref<4x128xi32, #tpu.memory_space<hbm>>) target(%arg5 : memref<4x128xi32, #tpu.memory_space<vmem>>) target_semaphore(%run_scoped3A : memref<!tpu.dma_semaphore, #tpu.memory_space<semaphore_mem>>)
      %dma_wait3A_73 = arith.constant 0 : i32
      %dma_wait3A_74 = arith.constant 0 : i32
      %dma_wait3A_75 = tpu.memref_slice %arg2[%add3A, %dma_wait3A_73, %dma_wait3A_74] : memref<32x4x128xi32, #tpu.memory_space<hbm>> -> memref<1x4x128xi32, #tpu.memory_space<hbm>>
      %dma_wait3A_76 = tpu.memref_squeeze %dma_wait3A_75 : memref<1x4x128xi32, #tpu.memory_space<hbm>> -> memref<4x128xi32, #tpu.memory_space<hbm>>
      %dma_wait3A_77 = arith.constant 0 : i32
      %dma_wait3A_78 = arith.constant 0 : i32
      %dma_wait3A_79 = tpu.memref_slice %arg2[%add3A, %dma_wait3A_77, %dma_wait3A_78] : memref<32x4x128xi32, #tpu.memory_space<hbm>> -> memref<1x4x128xi32, #tpu.memory_space<hbm>>
      %dma_wait3A_80 = tpu.memref_squeeze %dma_wait3A_79 : memref<1x4x128xi32, #tpu.memory_space<hbm>> -> memref<4x128xi32, #tpu.memory_space<hbm>>
      tpu.wait_dma2 semaphore(%run_scoped3A : memref<!tpu.dma_semaphore, #tpu.memory_space<semaphore_mem>>) src(%dma_wait3A_80 : memref<4x128xi32, #tpu.memory_space<hbm>>) dst(%arg5 : memref<4x128xi32, #tpu.memory_space<vmem>>)
      tpu.yield
    }) : () -> ()
    %mul3A_1 = arith.constant 512 : i32
    %mul3A_2 = arith.muli %add3A, %mul3A_1 : i32
    %dma_start3A = arith.constant 0 : i32
    %dma_start3A_3 = arith.constant 0 : i32
    %dma_start3A_4 = tpu.memref_slice %arg5[%dma_start3A, %dma_start3A_3] : memref<4x128xi32, #tpu.memory_space<vmem>> -> memref<1x128xi32, #tpu.memory_space<vmem>>
    %dma_start3A_5 = tpu.memref_squeeze %dma_start3A_4 : memref<1x128xi32, #tpu.memory_space<vmem>> -> memref<128xi32, #tpu.memory_space<vmem>>
    %dma_start3A_6 = arith.constant 0 : i32
    %dma_start3A_7 = arith.constant 0 : i32
    %dma_start3A_8 = tpu.memref_slice %arg3[%dma_start3A_6, %dma_start3A_7] : memref<57344x128xi32, #tpu.memory_space<hbm>> -> memref<57344x128xi32, #tpu.memory_space<hbm>>
    tpu.enqueue_indirect_dma source(%dma_start3A_8 : memref<57344x128xi32, #tpu.memory_space<hbm>>) target(%arg6 : memref<128x128xi32, #tpu.memory_space<vmem>>) offsets(%dma_start3A_5 : memref<128xi32, #tpu.memory_space<vmem>>) semaphore(%arg8 : memref<!tpu.dma_semaphore, #tpu.memory_space<semaphore_mem>>)
    %dma_start3A_9 = arith.constant 1 : i32
    %dma_start3A_10 = arith.constant 0 : i32
    %dma_start3A_11 = tpu.memref_slice %arg5[%dma_start3A_9, %dma_start3A_10] : memref<4x128xi32, #tpu.memory_space<vmem>> -> memref<1x128xi32, #tpu.memory_space<vmem>>
    %dma_start3A_12 = tpu.memref_squeeze %dma_start3A_11 : memref<1x128xi32, #tpu.memory_space<vmem>> -> memref<128xi32, #tpu.memory_space<vmem>>
    %dma_start3A_13 = arith.constant 0 : i32
    %dma_start3A_14 = arith.constant 0 : i32
    %dma_start3A_15 = tpu.memref_slice %arg3[%dma_start3A_13, %dma_start3A_14] : memref<57344x128xi32, #tpu.memory_space<hbm>> -> memref<57344x128xi32, #tpu.memory_space<hbm>>
    tpu.enqueue_indirect_dma source(%dma_start3A_15 : memref<57344x128xi32, #tpu.memory_space<hbm>>) target(%arg7 : memref<128x128xi32, #tpu.memory_space<vmem>>) offsets(%dma_start3A_12 : memref<128xi32, #tpu.memory_space<vmem>>) semaphore(%arg9 : memref<!tpu.dma_semaphore, #tpu.memory_space<semaphore_mem>>)
    %dma_wait3A = arith.constant 0 : i32
    %dma_wait3A_16 = arith.constant 0 : i32
    %dma_wait3A_17 = tpu.memref_slice %arg5[%dma_wait3A, %dma_wait3A_16] : memref<4x128xi32, #tpu.memory_space<vmem>> -> memref<1x128xi32, #tpu.memory_space<vmem>>
    %dma_wait3A_18 = tpu.memref_squeeze %dma_wait3A_17 : memref<1x128xi32, #tpu.memory_space<vmem>> -> memref<128xi32, #tpu.memory_space<vmem>>
    %dma_wait3A_19 = arith.constant 0 : i32
    %dma_wait3A_20 = arith.constant 0 : i32
    %dma_wait3A_21 = tpu.memref_slice %arg3[%dma_wait3A_19, %dma_wait3A_20] : memref<57344x128xi32, #tpu.memory_space<hbm>> -> memref<57344x128xi32, #tpu.memory_space<hbm>>
    tpu.wait_indirect_dma semaphore(%arg8 : memref<!tpu.dma_semaphore, #tpu.memory_space<semaphore_mem>>) src(%dma_wait3A_21 : memref<57344x128xi32, #tpu.memory_space<hbm>>) dst(%arg6 : memref<128x128xi32, #tpu.memory_space<vmem>>)
    %add3A_22 = arith.constant 0 : i32
    %add3A_23 = arith.addi %mul3A_2, %add3A_22 : i32
    "tpu.region"() ({
      %run_scoped3A = tpu.sem_alloc : memref<!tpu.dma_semaphore, #tpu.memory_space<semaphore_mem>>
      %dma_start3A_65 = arith.constant 0 : i32
      %dma_start3A_66 = tpu.memref_slice %arg4[%add3A_23, %dma_start3A_65] : memref<16384x128xi32, #tpu.memory_space<hbm>> -> memref<128x128xi32, #tpu.memory_space<hbm>>
      %dma_start3A_67 = arith.constant 0 : i32
      %dma_start3A_68 = tpu.memref_slice %arg4[%add3A_23, %dma_start3A_67] : memref<16384x128xi32, #tpu.memory_space<hbm>> -> memref<128x128xi32, #tpu.memory_space<hbm>>
      tpu.enqueue_dma source(%arg6 : memref<128x128xi32, #tpu.memory_space<vmem>>) target(%dma_start3A_68 : memref<128x128xi32, #tpu.memory_space<hbm>>) target_semaphore(%run_scoped3A : memref<!tpu.dma_semaphore, #tpu.memory_space<semaphore_mem>>)
      %dma_wait3A_69 = arith.constant 0 : i32
      %dma_wait3A_70 = tpu.memref_slice %arg4[%add3A_23, %dma_wait3A_69] : memref<16384x128xi32, #tpu.memory_space<hbm>> -> memref<128x128xi32, #tpu.memory_space<hbm>>
      %dma_wait3A_71 = arith.constant 0 : i32
      %dma_wait3A_72 = tpu.memref_slice %arg4[%add3A_23, %dma_wait3A_71] : memref<16384x128xi32, #tpu.memory_space<hbm>> -> memref<128x128xi32, #tpu.memory_space<hbm>>
      tpu.wait_dma2 semaphore(%run_scoped3A : memref<!tpu.dma_semaphore, #tpu.memory_space<semaphore_mem>>) src(%arg6 : memref<128x128xi32, #tpu.memory_space<vmem>>) dst(%dma_wait3A_72 : memref<128x128xi32, #tpu.memory_space<hbm>>)
      tpu.yield
    }) : () -> ()
    %dma_start3A_24 = arith.constant 2 : i32
    %dma_start3A_25 = arith.constant 0 : i32
    %dma_start3A_26 = tpu.memref_slice %arg5[%dma_start3A_24, %dma_start3A_25] : memref<4x128xi32, #tpu.memory_space<vmem>> -> memref<1x128xi32, #tpu.memory_space<vmem>>
    %dma_start3A_27 = tpu.memref_squeeze %dma_start3A_26 : memref<1x128xi32, #tpu.memory_space<vmem>> -> memref<128xi32, #tpu.memory_space<vmem>>
    %dma_start3A_28 = arith.constant 0 : i32
    %dma_start3A_29 = arith.constant 0 : i32
    %dma_start3A_30 = tpu.memref_slice %arg3[%dma_start3A_28, %dma_start3A_29] : memref<57344x128xi32, #tpu.memory_space<hbm>> -> memref<57344x128xi32, #tpu.memory_space<hbm>>
    tpu.enqueue_indirect_dma source(%dma_start3A_30 : memref<57344x128xi32, #tpu.memory_space<hbm>>) target(%arg6 : memref<128x128xi32, #tpu.memory_space<vmem>>) offsets(%dma_start3A_27 : memref<128xi32, #tpu.memory_space<vmem>>) semaphore(%arg8 : memref<!tpu.dma_semaphore, #tpu.memory_space<semaphore_mem>>)
    %dma_wait3A_31 = arith.constant 1 : i32
    %dma_wait3A_32 = arith.constant 0 : i32
    %dma_wait3A_33 = tpu.memref_slice %arg5[%dma_wait3A_31, %dma_wait3A_32] : memref<4x128xi32, #tpu.memory_space<vmem>> -> memref<1x128xi32, #tpu.memory_space<vmem>>
    %dma_wait3A_34 = tpu.memref_squeeze %dma_wait3A_33 : memref<1x128xi32, #tpu.memory_space<vmem>> -> memref<128xi32, #tpu.memory_space<vmem>>
    %dma_wait3A_35 = arith.constant 0 : i32
    %dma_wait3A_36 = arith.constant 0 : i32
    %dma_wait3A_37 = tpu.memref_slice %arg3[%dma_wait3A_35, %dma_wait3A_36] : memref<57344x128xi32, #tpu.memory_space<hbm>> -> memref<57344x128xi32, #tpu.memory_space<hbm>>
    tpu.wait_indirect_dma semaphore(%arg9 : memref<!tpu.dma_semaphore, #tpu.memory_space<semaphore_mem>>) src(%dma_wait3A_37 : memref<57344x128xi32, #tpu.memory_space<hbm>>) dst(%arg7 : memref<128x128xi32, #tpu.memory_space<vmem>>)
    %add3A_38 = arith.constant 128 : i32
    %add3A_39 = arith.addi %mul3A_2, %add3A_38 : i32
    "tpu.region"() ({
      %run_scoped3A = tpu.sem_alloc : memref<!tpu.dma_semaphore, #tpu.memory_space<semaphore_mem>>
      %dma_start3A_65 = arith.constant 0 : i32
      %dma_start3A_66 = tpu.memref_slice %arg4[%add3A_39, %dma_start3A_65] : memref<16384x128xi32, #tpu.memory_space<hbm>> -> memref<128x128xi32, #tpu.memory_space<hbm>>
      %dma_start3A_67 = arith.constant 0 : i32
      %dma_start3A_68 = tpu.memref_slice %arg4[%add3A_39, %dma_start3A_67] : memref<16384x128xi32, #tpu.memory_space<hbm>> -> memref<128x128xi32, #tpu.memory_space<hbm>>
      tpu.enqueue_dma source(%arg7 : memref<128x128xi32, #tpu.memory_space<vmem>>) target(%dma_start3A_68 : memref<128x128xi32, #tpu.memory_space<hbm>>) target_semaphore(%run_scoped3A : memref<!tpu.dma_semaphore, #tpu.memory_space<semaphore_mem>>)
      %dma_wait3A_69 = arith.constant 0 : i32
      %dma_wait3A_70 = tpu.memref_slice %arg4[%add3A_39, %dma_wait3A_69] : memref<16384x128xi32, #tpu.memory_space<hbm>> -> memref<128x128xi32, #tpu.memory_space<hbm>>
      %dma_wait3A_71 = arith.constant 0 : i32
      %dma_wait3A_72 = tpu.memref_slice %arg4[%add3A_39, %dma_wait3A_71] : memref<16384x128xi32, #tpu.memory_space<hbm>> -> memref<128x128xi32, #tpu.memory_space<hbm>>
      tpu.wait_dma2 semaphore(%run_scoped3A : memref<!tpu.dma_semaphore, #tpu.memory_space<semaphore_mem>>) src(%arg7 : memref<128x128xi32, #tpu.memory_space<vmem>>) dst(%dma_wait3A_72 : memref<128x128xi32, #tpu.memory_space<hbm>>)
      tpu.yield
    }) : () -> ()
    %dma_start3A_40 = arith.constant 3 : i32
    %dma_start3A_41 = arith.constant 0 : i32
    %dma_start3A_42 = tpu.memref_slice %arg5[%dma_start3A_40, %dma_start3A_41] : memref<4x128xi32, #tpu.memory_space<vmem>> -> memref<1x128xi32, #tpu.memory_space<vmem>>
    %dma_start3A_43 = tpu.memref_squeeze %dma_start3A_42 : memref<1x128xi32, #tpu.memory_space<vmem>> -> memref<128xi32, #tpu.memory_space<vmem>>
    %dma_start3A_44 = arith.constant 0 : i32
    %dma_start3A_45 = arith.constant 0 : i32
    %dma_start3A_46 = tpu.memref_slice %arg3[%dma_start3A_44, %dma_start3A_45] : memref<57344x128xi32, #tpu.memory_space<hbm>> -> memref<57344x128xi32, #tpu.memory_space<hbm>>
    tpu.enqueue_indirect_dma source(%dma_start3A_46 : memref<57344x128xi32, #tpu.memory_space<hbm>>) target(%arg7 : memref<128x128xi32, #tpu.memory_space<vmem>>) offsets(%dma_start3A_43 : memref<128xi32, #tpu.memory_space<vmem>>) semaphore(%arg9 : memref<!tpu.dma_semaphore, #tpu.memory_space<semaphore_mem>>)
    %dma_wait3A_47 = arith.constant 2 : i32
    %dma_wait3A_48 = arith.constant 0 : i32
    %dma_wait3A_49 = tpu.memref_slice %arg5[%dma_wait3A_47, %dma_wait3A_48] : memref<4x128xi32, #tpu.memory_space<vmem>> -> memref<1x128xi32, #tpu.memory_space<vmem>>
    %dma_wait3A_50 = tpu.memref_squeeze %dma_wait3A_49 : memref<1x128xi32, #tpu.memory_space<vmem>> -> memref<128xi32, #tpu.memory_space<vmem>>
    %dma_wait3A_51 = arith.constant 0 : i32
    %dma_wait3A_52 = arith.constant 0 : i32
    %dma_wait3A_53 = tpu.memref_slice %arg3[%dma_wait3A_51, %dma_wait3A_52] : memref<57344x128xi32, #tpu.memory_space<hbm>> -> memref<57344x128xi32, #tpu.memory_space<hbm>>
    tpu.wait_indirect_dma semaphore(%arg8 : memref<!tpu.dma_semaphore, #tpu.memory_space<semaphore_mem>>) src(%dma_wait3A_53 : memref<57344x128xi32, #tpu.memory_space<hbm>>) dst(%arg6 : memref<128x128xi32, #tpu.memory_space<vmem>>)
    %add3A_54 = arith.constant 256 : i32
    %add3A_55 = arith.addi %mul3A_2, %add3A_54 : i32
    "tpu.region"() ({
      %run_scoped3A = tpu.sem_alloc : memref<!tpu.dma_semaphore, #tpu.memory_space<semaphore_mem>>
      %dma_start3A_65 = arith.constant 0 : i32
      %dma_start3A_66 = tpu.memref_slice %arg4[%add3A_55, %dma_start3A_65] : memref<16384x128xi32, #tpu.memory_space<hbm>> -> memref<128x128xi32, #tpu.memory_space<hbm>>
      %dma_start3A_67 = arith.constant 0 : i32
      %dma_start3A_68 = tpu.memref_slice %arg4[%add3A_55, %dma_start3A_67] : memref<16384x128xi32, #tpu.memory_space<hbm>> -> memref<128x128xi32, #tpu.memory_space<hbm>>
      tpu.enqueue_dma source(%arg6 : memref<128x128xi32, #tpu.memory_space<vmem>>) target(%dma_start3A_68 : memref<128x128xi32, #tpu.memory_space<hbm>>) target_semaphore(%run_scoped3A : memref<!tpu.dma_semaphore, #tpu.memory_space<semaphore_mem>>)
      %dma_wait3A_69 = arith.constant 0 : i32
      %dma_wait3A_70 = tpu.memref_slice %arg4[%add3A_55, %dma_wait3A_69] : memref<16384x128xi32, #tpu.memory_space<hbm>> -> memref<128x128xi32, #tpu.memory_space<hbm>>
      %dma_wait3A_71 = arith.constant 0 : i32
      %dma_wait3A_72 = tpu.memref_slice %arg4[%add3A_55, %dma_wait3A_71] : memref<16384x128xi32, #tpu.memory_space<hbm>> -> memref<128x128xi32, #tpu.memory_space<hbm>>
      tpu.wait_dma2 semaphore(%run_scoped3A : memref<!tpu.dma_semaphore, #tpu.memory_space<semaphore_mem>>) src(%arg6 : memref<128x128xi32, #tpu.memory_space<vmem>>) dst(%dma_wait3A_72 : memref<128x128xi32, #tpu.memory_space<hbm>>)
      tpu.yield
    }) : () -> ()
    %dma_wait3A_56 = arith.constant 3 : i32
    %dma_wait3A_57 = arith.constant 0 : i32
    %dma_wait3A_58 = tpu.memref_slice %arg5[%dma_wait3A_56, %dma_wait3A_57] : memref<4x128xi32, #tpu.memory_space<vmem>> -> memref<1x128xi32, #tpu.memory_space<vmem>>
    %dma_wait3A_59 = tpu.memref_squeeze %dma_wait3A_58 : memref<1x128xi32, #tpu.memory_space<vmem>> -> memref<128xi32, #tpu.memory_space<vmem>>
    %dma_wait3A_60 = arith.constant 0 : i32
    %dma_wait3A_61 = arith.constant 0 : i32
    %dma_wait3A_62 = tpu.memref_slice %arg3[%dma_wait3A_60, %dma_wait3A_61] : memref<57344x128xi32, #tpu.memory_space<hbm>> -> memref<57344x128xi32, #tpu.memory_space<hbm>>
    tpu.wait_indirect_dma semaphore(%arg9 : memref<!tpu.dma_semaphore, #tpu.memory_space<semaphore_mem>>) src(%dma_wait3A_62 : memref<57344x128xi32, #tpu.memory_space<hbm>>) dst(%arg7 : memref<128x128xi32, #tpu.memory_space<vmem>>)
    %add3A_63 = arith.constant 384 : i32
    %add3A_64 = arith.addi %mul3A_2, %add3A_63 : i32
    "tpu.region"() ({
      %run_scoped3A = tpu.sem_alloc : memref<!tpu.dma_semaphore, #tpu.memory_space<semaphore_mem>>
      %dma_start3A_65 = arith.constant 0 : i32
      %dma_start3A_66 = tpu.memref_slice %arg4[%add3A_64, %dma_start3A_65] : memref<16384x128xi32, #tpu.memory_space<hbm>> -> memref<128x128xi32, #tpu.memory_space<hbm>>
      %dma_start3A_67 = arith.constant 0 : i32
      %dma_start3A_68 = tpu.memref_slice %arg4[%add3A_64, %dma_start3A_67] : memref<16384x128xi32, #tpu.memory_space<hbm>> -> memref<128x128xi32, #tpu.memory_space<hbm>>
      tpu.enqueue_dma source(%arg7 : memref<128x128xi32, #tpu.memory_space<vmem>>) target(%dma_start3A_68 : memref<128x128xi32, #tpu.memory_space<hbm>>) target_semaphore(%run_scoped3A : memref<!tpu.dma_semaphore, #tpu.memory_space<semaphore_mem>>)
      %dma_wait3A_69 = arith.constant 0 : i32
      %dma_wait3A_70 = tpu.memref_slice %arg4[%add3A_64, %dma_wait3A_69] : memref<16384x128xi32, #tpu.memory_space<hbm>> -> memref<128x128xi32, #tpu.memory_space<hbm>>
      %dma_wait3A_71 = arith.constant 0 : i32
      %dma_wait3A_72 = tpu.memref_slice %arg4[%add3A_64, %dma_wait3A_71] : memref<16384x128xi32, #tpu.memory_space<hbm>> -> memref<128x128xi32, #tpu.memory_space<hbm>>
      tpu.wait_dma2 semaphore(%run_scoped3A : memref<!tpu.dma_semaphore, #tpu.memory_space<semaphore_mem>>) src(%arg7 : memref<128x128xi32, #tpu.memory_space<vmem>>) dst(%dma_wait3A_72 : memref<128x128xi32, #tpu.memory_space<hbm>>)
      tpu.yield
    }) : () -> ()
    return
  }
}

module attributes {stable_mosaic.version = 14 : i64} {
  func.func @_packT_body(%arg0: i32, %arg1: memref<64x16384xf32, #tpu.memory_space<vmem>>, %arg2: memref<64x16384xf32, #tpu.memory_space<vmem>>, %arg3: memref<8192x128xi32, #tpu.memory_space<vmem>>) attributes {dimension_semantics = [#tpu.dimension_semantics<arbitrary>], iteration_bounds = array<i64: 62>, scalar_prefetch = 0 : i64, scratch_operands = 0 : i64, tpu.core_type = #tpu.core_type<tc>, window_params = [{transform_indices = @transform_0, window_bounds = array<i64: 64, 16384>}, {transform_indices = @transform_1, window_bounds = array<i64: 64, 16384>}, {transform_indices = @transform_2, window_bounds = array<i64: 8192, 128>}]} {
    %get3A = arith.constant 0 : index
    %get3A_0 = arith.constant 0 : index
    %get3A_1 = vector.load %arg1[%get3A, %get3A_0] : memref<64x16384xf32, #tpu.memory_space<vmem>>, vector<64x16384xf32>
    %bitcast_convert_type3A = tpu.bitcast %get3A_1 : vector<64x16384xf32> -> vector<64x16384xi32>
    %slice3A = vector.extract_strided_slice %bitcast_convert_type3A {offsets = [0, 0], sizes = [64, 8192], strides = [1, 1]} : vector<64x16384xi32> to vector<64x8192xi32>
    %add3A = arith.constant 32767 : i32
    %add3A_2 = vector.broadcast %add3A : i32 to vector<64x8192xi32>
    %add3A_3 = arith.addi %slice3A, %add3A_2 : vector<64x8192xi32>
    %shift_right_arithmetic3A = arith.constant 16 : i32
    %shift_right_arithmetic3A_4 = vector.broadcast %shift_right_arithmetic3A : i32 to vector<64x8192xi32>
    %shift_right_arithmetic3A_5 = arith.shrsi %slice3A, %shift_right_arithmetic3A_4 : vector<64x8192xi32>
    %and3A = arith.constant 1 : i32
    %and3A_6 = vector.broadcast %and3A : i32 to vector<64x8192xi32>
    %and3A_7 = arith.andi %shift_right_arithmetic3A_5, %and3A_6 : vector<64x8192xi32>
    %add3A_8 = arith.addi %add3A_3, %and3A_7 : vector<64x8192xi32>
    %shift_right_arithmetic3A_9 = arith.constant 16 : i32
    %shift_right_arithmetic3A_10 = vector.broadcast %shift_right_arithmetic3A_9 : i32 to vector<64x8192xi32>
    %shift_right_arithmetic3A_11 = arith.shrsi %add3A_8, %shift_right_arithmetic3A_10 : vector<64x8192xi32>
    %and3A_12 = arith.constant 65535 : i32
    %and3A_13 = vector.broadcast %and3A_12 : i32 to vector<64x8192xi32>
    %and3A_14 = arith.andi %shift_right_arithmetic3A_11, %and3A_13 : vector<64x8192xi32>
    %slice3A_15 = vector.extract_strided_slice %bitcast_convert_type3A {offsets = [0, 8192], sizes = [64, 8192], strides = [1, 1]} : vector<64x16384xi32> to vector<64x8192xi32>
    %add3A_16 = arith.constant 32767 : i32
    %add3A_17 = vector.broadcast %add3A_16 : i32 to vector<64x8192xi32>
    %add3A_18 = arith.addi %slice3A_15, %add3A_17 : vector<64x8192xi32>
    %shift_right_arithmetic3A_19 = arith.constant 16 : i32
    %shift_right_arithmetic3A_20 = vector.broadcast %shift_right_arithmetic3A_19 : i32 to vector<64x8192xi32>
    %shift_right_arithmetic3A_21 = arith.shrsi %slice3A_15, %shift_right_arithmetic3A_20 : vector<64x8192xi32>
    %and3A_22 = arith.constant 1 : i32
    %and3A_23 = vector.broadcast %and3A_22 : i32 to vector<64x8192xi32>
    %and3A_24 = arith.andi %shift_right_arithmetic3A_21, %and3A_23 : vector<64x8192xi32>
    %add3A_25 = arith.addi %add3A_18, %and3A_24 : vector<64x8192xi32>
    %and3A_26 = arith.constant -65536 : i32
    %and3A_27 = vector.broadcast %and3A_26 : i32 to vector<64x8192xi32>
    %and3A_28 = arith.andi %add3A_25, %and3A_27 : vector<64x8192xi32>
    %or3A = arith.ori %and3A_14, %and3A_28 : vector<64x8192xi32>
    %get3A_29 = arith.constant 0 : index
    %get3A_30 = arith.constant 0 : index
    %get3A_31 = vector.load %arg2[%get3A_29, %get3A_30] : memref<64x16384xf32, #tpu.memory_space<vmem>>, vector<64x16384xf32>
    %bitcast_convert_type3A_32 = tpu.bitcast %get3A_31 : vector<64x16384xf32> -> vector<64x16384xi32>
    %slice3A_33 = vector.extract_strided_slice %bitcast_convert_type3A_32 {offsets = [0, 0], sizes = [64, 8192], strides = [1, 1]} : vector<64x16384xi32> to vector<64x8192xi32>
    %add3A_34 = arith.constant 32767 : i32
    %add3A_35 = vector.broadcast %add3A_34 : i32 to vector<64x8192xi32>
    %add3A_36 = arith.addi %slice3A_33, %add3A_35 : vector<64x8192xi32>
    %shift_right_arithmetic3A_37 = arith.constant 16 : i32
    %shift_right_arithmetic3A_38 = vector.broadcast %shift_right_arithmetic3A_37 : i32 to vector<64x8192xi32>
    %shift_right_arithmetic3A_39 = arith.shrsi %slice3A_33, %shift_right_arithmetic3A_38 : vector<64x8192xi32>
    %and3A_40 = arith.constant 1 : i32
    %and3A_41 = vector.broadcast %and3A_40 : i32 to vector<64x8192xi32>
    %and3A_42 = arith.andi %shift_right_arithmetic3A_39, %and3A_41 : vector<64x8192xi32>
    %add3A_43 = arith.addi %add3A_36, %and3A_42 : vector<64x8192xi32>
    %shift_right_arithmetic3A_44 = arith.constant 16 : i32
    %shift_right_arithmetic3A_45 = vector.broadcast %shift_right_arithmetic3A_44 : i32 to vector<64x8192xi32>
    %shift_right_arithmetic3A_46 = arith.shrsi %add3A_43, %shift_right_arithmetic3A_45 : vector<64x8192xi32>
    %and3A_47 = arith.constant 65535 : i32
    %and3A_48 = vector.broadcast %and3A_47 : i32 to vector<64x8192xi32>
    %and3A_49 = arith.andi %shift_right_arithmetic3A_46, %and3A_48 : vector<64x8192xi32>
    %slice3A_50 = vector.extract_strided_slice %bitcast_convert_type3A_32 {offsets = [0, 8192], sizes = [64, 8192], strides = [1, 1]} : vector<64x16384xi32> to vector<64x8192xi32>
    %add3A_51 = arith.constant 32767 : i32
    %add3A_52 = vector.broadcast %add3A_51 : i32 to vector<64x8192xi32>
    %add3A_53 = arith.addi %slice3A_50, %add3A_52 : vector<64x8192xi32>
    %shift_right_arithmetic3A_54 = arith.constant 16 : i32
    %shift_right_arithmetic3A_55 = vector.broadcast %shift_right_arithmetic3A_54 : i32 to vector<64x8192xi32>
    %shift_right_arithmetic3A_56 = arith.shrsi %slice3A_50, %shift_right_arithmetic3A_55 : vector<64x8192xi32>
    %and3A_57 = arith.constant 1 : i32
    %and3A_58 = vector.broadcast %and3A_57 : i32 to vector<64x8192xi32>
    %and3A_59 = arith.andi %shift_right_arithmetic3A_56, %and3A_58 : vector<64x8192xi32>
    %add3A_60 = arith.addi %add3A_53, %and3A_59 : vector<64x8192xi32>
    %and3A_61 = arith.constant -65536 : i32
    %and3A_62 = vector.broadcast %and3A_61 : i32 to vector<64x8192xi32>
    %and3A_63 = arith.andi %add3A_60, %and3A_62 : vector<64x8192xi32>
    %or3A_64 = arith.ori %and3A_49, %and3A_63 : vector<64x8192xi32>
    %transpose3A = tpu.transpose %or3A, [1, 0] : vector<64x8192xi32> -> vector<8192x64xi32>
    %transpose3A_65 = tpu.transpose %or3A_64, [1, 0] : vector<64x8192xi32> -> vector<8192x64xi32>
    %concatenate3A = tpu.concatenate %transpose3A, %transpose3A_65 in 1 : vector<8192x64xi32>, vector<8192x64xi32> -> vector<8192x128xi32>
    %swap3A = arith.constant 0 : index
    %swap3A_66 = arith.constant 0 : index
    %swap3A_67 = vector.load %arg3[%swap3A, %swap3A_66] : memref<8192x128xi32, #tpu.memory_space<vmem>>, vector<8192x128xi32>
    tpu.vector_store %arg3[%swap3A, %swap3A_66], %concatenate3A {strides = array<i32>} : memref<8192x128xi32, #tpu.memory_space<vmem>>, vector<8192x128xi32>,
    return
  }
  func.func @transform_0(%arg0: i32) -> (i32, i32) {
    %c0_i32 = arith.constant 0 : i32
    %c0_i32_0 = arith.constant 0 : i32
    return %c0_i32, %arg0 : i32, i32
  }
  func.func @transform_1(%arg0: i32) -> (i32, i32) {
    %c0_i32 = arith.constant 0 : i32
    %c0_i32_0 = arith.constant 0 : i32
    return %c0_i32, %arg0 : i32, i32
  }
  func.func @transform_2(%arg0: i32) -> (i32, i32) {
    %c0_i32 = arith.constant 0 : i32
    %c0_i32_0 = arith.constant 0 : i32
    return %arg0, %c0_i32 : i32, i32
  }
}

module attributes {stable_mosaic.version = 14 : i64} {
  func.func @_packT_body(%arg0: i32, %arg1: memref<64x16384xf32, #tpu.memory_space<vmem>>, %arg2: memref<64x16384xf32, #tpu.memory_space<vmem>>, %arg3: memref<8192x128xi32, #tpu.memory_space<vmem>>) attributes {dimension_semantics = [#tpu.dimension_semantics<arbitrary>], iteration_bounds = array<i64: 7>, scalar_prefetch = 0 : i64, scratch_operands = 0 : i64, tpu.core_type = #tpu.core_type<tc>, window_params = [{transform_indices = @transform_0, window_bounds = array<i64: 64, 16384>}, {transform_indices = @transform_1, window_bounds = array<i64: 64, 16384>}, {transform_indices = @transform_2, window_bounds = array<i64: 8192, 128>}]} {
    %get3A = arith.constant 0 : index
    %get3A_0 = arith.constant 0 : index
    %get3A_1 = vector.load %arg1[%get3A, %get3A_0] : memref<64x16384xf32, #tpu.memory_space<vmem>>, vector<64x16384xf32>
    %bitcast_convert_type3A = tpu.bitcast %get3A_1 : vector<64x16384xf32> -> vector<64x16384xi32>
    %slice3A = vector.extract_strided_slice %bitcast_convert_type3A {offsets = [0, 0], sizes = [64, 8192], strides = [1, 1]} : vector<64x16384xi32> to vector<64x8192xi32>
    %add3A = arith.constant 32767 : i32
    %add3A_2 = vector.broadcast %add3A : i32 to vector<64x8192xi32>
    %add3A_3 = arith.addi %slice3A, %add3A_2 : vector<64x8192xi32>
    %shift_right_arithmetic3A = arith.constant 16 : i32
    %shift_right_arithmetic3A_4 = vector.broadcast %shift_right_arithmetic3A : i32 to vector<64x8192xi32>
    %shift_right_arithmetic3A_5 = arith.shrsi %slice3A, %shift_right_arithmetic3A_4 : vector<64x8192xi32>
    %and3A = arith.constant 1 : i32
    %and3A_6 = vector.broadcast %and3A : i32 to vector<64x8192xi32>
    %and3A_7 = arith.andi %shift_right_arithmetic3A_5, %and3A_6 : vector<64x8192xi32>
    %add3A_8 = arith.addi %add3A_3, %and3A_7 : vector<64x8192xi32>
    %shift_right_arithmetic3A_9 = arith.constant 16 : i32
    %shift_right_arithmetic3A_10 = vector.broadcast %shift_right_arithmetic3A_9 : i32 to vector<64x8192xi32>
    %shift_right_arithmetic3A_11 = arith.shrsi %add3A_8, %shift_right_arithmetic3A_10 : vector<64x8192xi32>
    %and3A_12 = arith.constant 65535 : i32
    %and3A_13 = vector.broadcast %and3A_12 : i32 to vector<64x8192xi32>
    %and3A_14 = arith.andi %shift_right_arithmetic3A_11, %and3A_13 : vector<64x8192xi32>
    %slice3A_15 = vector.extract_strided_slice %bitcast_convert_type3A {offsets = [0, 8192], sizes = [64, 8192], strides = [1, 1]} : vector<64x16384xi32> to vector<64x8192xi32>
    %add3A_16 = arith.constant 32767 : i32
    %add3A_17 = vector.broadcast %add3A_16 : i32 to vector<64x8192xi32>
    %add3A_18 = arith.addi %slice3A_15, %add3A_17 : vector<64x8192xi32>
    %shift_right_arithmetic3A_19 = arith.constant 16 : i32
    %shift_right_arithmetic3A_20 = vector.broadcast %shift_right_arithmetic3A_19 : i32 to vector<64x8192xi32>
    %shift_right_arithmetic3A_21 = arith.shrsi %slice3A_15, %shift_right_arithmetic3A_20 : vector<64x8192xi32>
    %and3A_22 = arith.constant 1 : i32
    %and3A_23 = vector.broadcast %and3A_22 : i32 to vector<64x8192xi32>
    %and3A_24 = arith.andi %shift_right_arithmetic3A_21, %and3A_23 : vector<64x8192xi32>
    %add3A_25 = arith.addi %add3A_18, %and3A_24 : vector<64x8192xi32>
    %and3A_26 = arith.constant -65536 : i32
    %and3A_27 = vector.broadcast %and3A_26 : i32 to vector<64x8192xi32>
    %and3A_28 = arith.andi %add3A_25, %and3A_27 : vector<64x8192xi32>
    %or3A = arith.ori %and3A_14, %and3A_28 : vector<64x8192xi32>
    %get3A_29 = arith.constant 0 : index
    %get3A_30 = arith.constant 0 : index
    %get3A_31 = vector.load %arg2[%get3A_29, %get3A_30] : memref<64x16384xf32, #tpu.memory_space<vmem>>, vector<64x16384xf32>
    %bitcast_convert_type3A_32 = tpu.bitcast %get3A_31 : vector<64x16384xf32> -> vector<64x16384xi32>
    %slice3A_33 = vector.extract_strided_slice %bitcast_convert_type3A_32 {offsets = [0, 0], sizes = [64, 8192], strides = [1, 1]} : vector<64x16384xi32> to vector<64x8192xi32>
    %add3A_34 = arith.constant 32767 : i32
    %add3A_35 = vector.broadcast %add3A_34 : i32 to vector<64x8192xi32>
    %add3A_36 = arith.addi %slice3A_33, %add3A_35 : vector<64x8192xi32>
    %shift_right_arithmetic3A_37 = arith.constant 16 : i32
    %shift_right_arithmetic3A_38 = vector.broadcast %shift_right_arithmetic3A_37 : i32 to vector<64x8192xi32>
    %shift_right_arithmetic3A_39 = arith.shrsi %slice3A_33, %shift_right_arithmetic3A_38 : vector<64x8192xi32>
    %and3A_40 = arith.constant 1 : i32
    %and3A_41 = vector.broadcast %and3A_40 : i32 to vector<64x8192xi32>
    %and3A_42 = arith.andi %shift_right_arithmetic3A_39, %and3A_41 : vector<64x8192xi32>
    %add3A_43 = arith.addi %add3A_36, %and3A_42 : vector<64x8192xi32>
    %shift_right_arithmetic3A_44 = arith.constant 16 : i32
    %shift_right_arithmetic3A_45 = vector.broadcast %shift_right_arithmetic3A_44 : i32 to vector<64x8192xi32>
    %shift_right_arithmetic3A_46 = arith.shrsi %add3A_43, %shift_right_arithmetic3A_45 : vector<64x8192xi32>
    %and3A_47 = arith.constant 65535 : i32
    %and3A_48 = vector.broadcast %and3A_47 : i32 to vector<64x8192xi32>
    %and3A_49 = arith.andi %shift_right_arithmetic3A_46, %and3A_48 : vector<64x8192xi32>
    %slice3A_50 = vector.extract_strided_slice %bitcast_convert_type3A_32 {offsets = [0, 8192], sizes = [64, 8192], strides = [1, 1]} : vector<64x16384xi32> to vector<64x8192xi32>
    %add3A_51 = arith.constant 32767 : i32
    %add3A_52 = vector.broadcast %add3A_51 : i32 to vector<64x8192xi32>
    %add3A_53 = arith.addi %slice3A_50, %add3A_52 : vector<64x8192xi32>
    %shift_right_arithmetic3A_54 = arith.constant 16 : i32
    %shift_right_arithmetic3A_55 = vector.broadcast %shift_right_arithmetic3A_54 : i32 to vector<64x8192xi32>
    %shift_right_arithmetic3A_56 = arith.shrsi %slice3A_50, %shift_right_arithmetic3A_55 : vector<64x8192xi32>
    %and3A_57 = arith.constant 1 : i32
    %and3A_58 = vector.broadcast %and3A_57 : i32 to vector<64x8192xi32>
    %and3A_59 = arith.andi %shift_right_arithmetic3A_56, %and3A_58 : vector<64x8192xi32>
    %add3A_60 = arith.addi %add3A_53, %and3A_59 : vector<64x8192xi32>
    %and3A_61 = arith.constant -65536 : i32
    %and3A_62 = vector.broadcast %and3A_61 : i32 to vector<64x8192xi32>
    %and3A_63 = arith.andi %add3A_60, %and3A_62 : vector<64x8192xi32>
    %or3A_64 = arith.ori %and3A_49, %and3A_63 : vector<64x8192xi32>
    %transpose3A = tpu.transpose %or3A, [1, 0] : vector<64x8192xi32> -> vector<8192x64xi32>
    %transpose3A_65 = tpu.transpose %or3A_64, [1, 0] : vector<64x8192xi32> -> vector<8192x64xi32>
    %concatenate3A = tpu.concatenate %transpose3A, %transpose3A_65 in 1 : vector<8192x64xi32>, vector<8192x64xi32> -> vector<8192x128xi32>
    %swap3A = arith.constant 0 : index
    %swap3A_66 = arith.constant 0 : index
    %swap3A_67 = vector.load %arg3[%swap3A, %swap3A_66] : memref<8192x128xi32, #tpu.memory_space<vmem>>, vector<8192x128xi32>
    tpu.vector_store %arg3[%swap3A, %swap3A_66], %concatenate3A {strides = array<i32>} : memref<8192x128xi32, #tpu.memory_space<vmem>>, vector<8192x128xi32>,
    return
  }
  func.func @transform_0(%arg0: i32) -> (i32, i32) {
    %c0_i32 = arith.constant 0 : i32
    %c0_i32_0 = arith.constant 0 : i32
    return %c0_i32, %arg0 : i32, i32
  }
  func.func @transform_1(%arg0: i32) -> (i32, i32) {
    %c0_i32 = arith.constant 0 : i32
    %c0_i32_0 = arith.constant 0 : i32
    return %c0_i32, %arg0 : i32, i32
  }
  func.func @transform_2(%arg0: i32) -> (i32, i32) {
    %c0_i32 = arith.constant 0 : i32
    %c0_i32_0 = arith.constant 0 : i32
    return %arg0, %c0_i32 : i32, i32
  }
}

module attributes {stable_mosaic.version = 14 : i64} {
  func.func @_fuse_body(%arg0: i32, %arg1: memref<2048x128xi32, #tpu.memory_space<vmem>>, %arg2: memref<2048x128xi32, #tpu.memory_space<vmem>>, %arg3: memref<2048x1xi32, #tpu.memory_space<vmem>>, %arg4: memref<2048x1xi32, #tpu.memory_space<vmem>>, %arg5: memref<64x64xf32, #tpu.memory_space<vmem>>, %arg6: memref<64x64xf32, #tpu.memory_space<vmem>>, %arg7: memref<1x64xf32, #tpu.memory_space<vmem>>, %arg8: memref<64x1xf32, #tpu.memory_space<vmem>>, %arg9: memref<64x1xf32, #tpu.memory_space<vmem>>, %arg10: memref<1x1xf32, #tpu.memory_space<vmem>>, %arg11: memref<2048x1xf32, #tpu.memory_space<vmem>>) attributes {dimension_semantics = [#tpu.dimension_semantics<arbitrary>], iteration_bounds = array<i64: 8>, scalar_prefetch = 0 : i64, scratch_operands = 0 : i64, tpu.core_type = #tpu.core_type<tc>, window_params = [{transform_indices = @transform_0, window_bounds = array<i64: 2048, 128>}, {transform_indices = @transform_1, window_bounds = array<i64: 2048, 128>}, {transform_indices = @transform_2, window_bounds = array<i64: 2048, 1>}, {transform_indices = @transform_3, window_bounds = array<i64: 2048, 1>}, {pipeline_mode = #tpu.pipeline_mode<synchronous>, transform_indices = @transform_4, window_bounds = array<i64: 64, 64>}, {pipeline_mode = #tpu.pipeline_mode<synchronous>, transform_indices = @transform_5, window_bounds = array<i64: 64, 64>}, {pipeline_mode = #tpu.pipeline_mode<synchronous>, transform_indices = @transform_6, window_bounds = array<i64: 1, 64>}, {pipeline_mode = #tpu.pipeline_mode<synchronous>, transform_indices = @transform_7, window_bounds = array<i64: 64, 1>}, {pipeline_mode = #tpu.pipeline_mode<synchronous>, transform_indices = @transform_8, window_bounds = array<i64: 64, 1>}, {pipeline_mode = #tpu.pipeline_mode<synchronous>, transform_indices = @transform_9, window_bounds = array<i64: 1, 1>}, {transform_indices = @transform_10, window_bounds = array<i64: 2048, 1>}]} {
    %get3A = arith.constant 0 : index
    %get3A_0 = arith.constant 0 : index
    %get3A_1 = vector.load %arg1[%get3A, %get3A_0] : memref<2048x128xi32, #tpu.memory_space<vmem>>, vector<2048x128xi32>
    %get3A_2 = arith.constant 0 : index
    %get3A_3 = arith.constant 0 : index
    %get3A_4 = vector.load %arg3[%get3A_2, %get3A_3] : memref<2048x1xi32, #tpu.memory_space<vmem>>, vector<2048x1xi32>
    %gt3A = arith.constant 0 : i32
    %gt3A_5 = vector.broadcast %gt3A : i32 to vector<2048x1xi32>
    %gt3A_6 = arith.cmpi sgt, %get3A_4, %gt3A_5 : vector<2048x1xi32>
    %and3A = arith.constant -65536 : i32
    %and3A_7 = vector.broadcast %and3A : i32 to vector<2048x128xi32>
    %and3A_8 = arith.andi %get3A_1, %and3A_7 : vector<2048x128xi32>
    %shift_left3A = arith.constant 16 : i32
    %shift_left3A_9 = vector.broadcast %shift_left3A : i32 to vector<2048x128xi32>
    %shift_left3A_10 = arith.shli %get3A_1, %shift_left3A_9 : vector<2048x128xi32>
    %broadcast_in_dim3A = vector.shape_cast %gt3A_6 : vector<2048x1xi1> to vector<2048x1xi1>
    %broadcast_in_dim3A_11 = vector.broadcast %broadcast_in_dim3A : vector<2048x1xi1> to vector<2048x128xi1>
    %select_n3A = arith.select %broadcast_in_dim3A_11, %and3A_8, %shift_left3A_10 : vector<2048x128xi1>, vector<2048x128xi32>
    %bitcast_convert_type3A = tpu.bitcast %select_n3A : vector<2048x128xi32> -> vector<2048x128xf32>
    %get3A_12 = arith.constant 0 : index
    %get3A_13 = arith.constant 0 : index
    %get3A_14 = vector.load %arg2[%get3A_12, %get3A_13] : memref<2048x128xi32, #tpu.memory_space<vmem>>, vector<2048x128xi32>
    %get3A_15 = arith.constant 0 : index
    %get3A_16 = arith.constant 0 : index
    %get3A_17 = vector.load %arg4[%get3A_15, %get3A_16] : memref<2048x1xi32, #tpu.memory_space<vmem>>, vector<2048x1xi32>
    %gt3A_18 = arith.constant 0 : i32
    %gt3A_19 = vector.broadcast %gt3A_18 : i32 to vector<2048x1xi32>
    %gt3A_20 = arith.cmpi sgt, %get3A_17, %gt3A_19 : vector<2048x1xi32>
    %and3A_21 = arith.constant -65536 : i32
    %and3A_22 = vector.broadcast %and3A_21 : i32 to vector<2048x128xi32>
    %and3A_23 = arith.andi %get3A_14, %and3A_22 : vector<2048x128xi32>
    %shift_left3A_24 = arith.constant 16 : i32
    %shift_left3A_25 = vector.broadcast %shift_left3A_24 : i32 to vector<2048x128xi32>
    %shift_left3A_26 = arith.shli %get3A_14, %shift_left3A_25 : vector<2048x128xi32>
    %broadcast_in_dim3A_27 = vector.shape_cast %gt3A_20 : vector<2048x1xi1> to vector<2048x1xi1>
    %broadcast_in_dim3A_28 = vector.broadcast %broadcast_in_dim3A_27 : vector<2048x1xi1> to vector<2048x128xi1>
    %select_n3A_29 = arith.select %broadcast_in_dim3A_28, %and3A_23, %shift_left3A_26 : vector<2048x128xi1>, vector<2048x128xi32>
    %bitcast_convert_type3A_30 = tpu.bitcast %select_n3A_29 : vector<2048x128xi32> -> vector<2048x128xf32>
    %slice3A = vector.extract_strided_slice %bitcast_convert_type3A {offsets = [0, 0], sizes = [2048, 64], strides = [1, 1]} : vector<2048x128xf32> to vector<2048x64xf32>
    %slice3A_31 = vector.extract_strided_slice %bitcast_convert_type3A {offsets = [0, 64], sizes = [2048, 64], strides = [1, 1]} : vector<2048x128xf32> to vector<2048x64xf32>
    %slice3A_32 = vector.extract_strided_slice %bitcast_convert_type3A_30 {offsets = [0, 0], sizes = [2048, 64], strides = [1, 1]} : vector<2048x128xf32> to vector<2048x64xf32>
    %slice3A_33 = vector.extract_strided_slice %bitcast_convert_type3A_30 {offsets = [0, 64], sizes = [2048, 64], strides = [1, 1]} : vector<2048x128xf32> to vector<2048x64xf32>
    %get3A_34 = arith.constant 0 : index
    %get3A_35 = arith.constant 0 : index
    %get3A_36 = vector.load %arg5[%get3A_34, %get3A_35] : memref<64x64xf32, #tpu.memory_space<vmem>>, vector<64x64xf32>
    %dot_general3A = arith.constant dense<0.000000e+00> : vector<2048x64xf32>
    %dot_general3A_37 = tpu.matmul %slice3A_31, %get3A_36, %dot_general3A {dimension_numbers = #tpu.dot_dimension_numbers<[1], [0], [0], [1], [0, 0, 1, 1], [], []>, transpose_lhs_hint = false} : vector<2048x64xf32>, vector<64x64xf32>, vector<2048x64xf32> -> vector<2048x64xf32>
    %get3A_38 = arith.constant 0 : index
    %get3A_39 = arith.constant 0 : index
    %get3A_40 = vector.load %arg6[%get3A_38, %get3A_39] : memref<64x64xf32, #tpu.memory_space<vmem>>, vector<64x64xf32>
    %dot_general3A_41 = arith.constant dense<0.000000e+00> : vector<2048x64xf32>
    %dot_general3A_42 = tpu.matmul %slice3A_33, %get3A_40, %dot_general3A_41 {dimension_numbers = #tpu.dot_dimension_numbers<[1], [0], [0], [1], [0, 0, 1, 1], [], []>, transpose_lhs_hint = false} : vector<2048x64xf32>, vector<64x64xf32>, vector<2048x64xf32> -> vector<2048x64xf32>
    %add3A = arith.addf %dot_general3A_37, %dot_general3A_42 : vector<2048x64xf32>
    %get3A_43 = arith.constant 0 : index
    %get3A_44 = arith.constant 0 : index
    %get3A_45 = vector.load %arg7[%get3A_43, %get3A_44] : memref<1x64xf32, #tpu.memory_space<vmem>>, vector<1x64xf32>
    %add3A_46 = vector.broadcast %get3A_45 : vector<1x64xf32> to vector<2048x64xf32>
    %add3A_47 = arith.addf %add3A, %add3A_46 : vector<2048x64xf32>
    %max3A = arith.constant 0.000000e+00 : f32
    %max3A_48 = vector.broadcast %max3A : f32 to vector<2048x64xf32>
    %max3A_49 = arith.maximumf %add3A_47, %max3A_48 : vector<2048x64xf32>
    %mul3A = arith.mulf %slice3A, %slice3A_32 : vector<2048x64xf32>
    %get3A_50 = arith.constant 0 : index
    %get3A_51 = arith.constant 0 : index
    %get3A_52 = vector.load %arg8[%get3A_50, %get3A_51] : memref<64x1xf32, #tpu.memory_space<vmem>>, vector<64x1xf32>
    %dot_general3A_53 = arith.constant dense<0.000000e+00> : vector<2048x1xf32>
    %dot_general3A_54 = tpu.matmul %mul3A, %get3A_52, %dot_general3A_53 {dimension_numbers = #tpu.dot_dimension_numbers<[1], [0], [0], [1], [0, 0, 1, 1], [], []>, transpose_lhs_hint = false} : vector<2048x64xf32>, vector<64x1xf32>, vector<2048x1xf32> -> vector<2048x1xf32>
    %get3A_55 = arith.constant 0 : index
    %get3A_56 = arith.constant 0 : index
    %get3A_57 = vector.load %arg9[%get3A_55, %get3A_56] : memref<64x1xf32, #tpu.memory_space<vmem>>, vector<64x1xf32>
    %dot_general3A_58 = arith.constant dense<0.000000e+00> : vector<2048x1xf32>
    %dot_general3A_59 = tpu.matmul %max3A_49, %get3A_57, %dot_general3A_58 {dimension_numbers = #tpu.dot_dimension_numbers<[1], [0], [0], [1], [0, 0, 1, 1], [], []>, transpose_lhs_hint = false} : vector<2048x64xf32>, vector<64x1xf32>, vector<2048x1xf32> -> vector<2048x1xf32>
    %add3A_60 = arith.addf %dot_general3A_54, %dot_general3A_59 : vector<2048x1xf32>
    %get3A_61 = arith.constant 0 : index
    %get3A_62 = arith.constant 0 : index
    %get3A_63 = vector.load %arg10[%get3A_61, %get3A_62] : memref<1x1xf32, #tpu.memory_space<vmem>>, vector<1x1xf32>
    %add3A_64 = vector.broadcast %get3A_63 : vector<1x1xf32> to vector<2048x1xf32>
    %add3A_65 = arith.addf %add3A_60, %add3A_64 : vector<2048x1xf32>
    %swap3A = arith.constant 0 : index
    %swap3A_66 = arith.constant 0 : index
    %swap3A_67 = vector.load %arg11[%swap3A, %swap3A_66] : memref<2048x1xf32, #tpu.memory_space<vmem>>, vector<2048x1xf32>
    tpu.vector_store %arg11[%swap3A, %swap3A_66], %add3A_65 {strides = array<i32>} : memref<2048x1xf32, #tpu.memory_space<vmem>>, vector<2048x1xf32>,
    return
  }
  func.func @transform_0(%arg0: i32) -> (i32, i32) {
    %c0_i32 = arith.constant 0 : i32
    %c0_i32_0 = arith.constant 0 : i32
    return %arg0, %c0_i32 : i32, i32
  }
  func.func @transform_1(%arg0: i32) -> (i32, i32) {
    %c0_i32 = arith.constant 0 : i32
    %c0_i32_0 = arith.constant 0 : i32
    return %arg0, %c0_i32 : i32, i32
  }
  func.func @transform_2(%arg0: i32) -> (i32, i32) {
    %c0_i32 = arith.constant 0 : i32
    %c0_i32_0 = arith.constant 0 : i32
    return %arg0, %c0_i32 : i32, i32
  }
  func.func @transform_3(%arg0: i32) -> (i32, i32) {
    %c0_i32 = arith.constant 0 : i32
    %c0_i32_0 = arith.constant 0 : i32
    return %arg0, %c0_i32 : i32, i32
  }
  func.func @transform_4(%arg0: i32) -> (i32, i32) {
    %c0_i32 = arith.constant 0 : i32
    %c0_i32_0 = arith.constant 0 : i32
    %c0_i32_1 = arith.constant 0 : i32
    return %c0_i32, %c0_i32_0 : i32, i32
  }
  func.func @transform_5(%arg0: i32) -> (i32, i32) {
    %c0_i32 = arith.constant 0 : i32
    %c0_i32_0 = arith.constant 0 : i32
    %c0_i32_1 = arith.constant 0 : i32
    return %c0_i32, %c0_i32_0 : i32, i32
  }
  func.func @transform_6(%arg0: i32) -> (i32, i32) {
    %c0_i32 = arith.constant 0 : i32
    %c0_i32_0 = arith.constant 0 : i32
    %c0_i32_1 = arith.constant 0 : i32
    return %c0_i32, %c0_i32_0 : i32, i32
  }
  func.func @transform_7(%arg0: i32) -> (i32, i32) {
    %c0_i32 = arith.constant 0 : i32
    %c0_i32_0 = arith.constant 0 : i32
    %c0_i32_1 = arith.constant 0 : i32
    return %c0_i32, %c0_i32_0 : i32, i32
  }
  func.func @transform_8(%arg0: i32) -> (i32, i32) {
    %c0_i32 = arith.constant 0 : i32
    %c0_i32_0 = arith.constant 0 : i32
    %c0_i32_1 = arith.constant 0 : i32
    return %c0_i32, %c0_i32_0 : i32, i32
  }
  func.func @transform_9(%arg0: i32) -> (i32, i32) {
    %c0_i32 = arith.constant 0 : i32
    %c0_i32_0 = arith.constant 0 : i32
    %c0_i32_1 = arith.constant 0 : i32
    return %c0_i32, %c0_i32_0 : i32, i32
  }
  func.func @transform_10(%arg0: i32) -> (i32, i32) {
    %c0_i32 = arith.constant 0 : i32
    %c0_i32_0 = arith.constant 0 : i32
    return %arg0, %c0_i32 : i32, i32
  }
}

</mosaic_0001>

<sc_bundles>
// kernel: kernel.10.cloned.1.call-start
scs
__scs_entry_jumppad:
0x0: {  	(pc) =	sbr.rel $0x88, $3  }
0x1: {  	(tag) =	ssettag $0x0;
	lr =	simm.s32 $0x1  }
0x2: {  	[smem:$0x3F97] =	sst lr;
	_ =	strace $0xD0000000  }
0x3: {  	_ = 	snop  }
0x4: {  	_ = 	snop  }
0x5: {  	_ = 	snop  }
0x6: {  	_ = 	snop  }
0x7: {  	_ = 	snop  }
__scs_overlays_trampoline_lowered:
0x8: {  	[smem:$0x3FA6] =	sst s0  }
0x9: {  	[smem:$0x3FA7] =	sst s1  }
0xa: {  	[smem:$0x3FA8] =	sst s2  }
0xb: {  	[smem:$0x3FA9] =	sst s3  }
0xc: {  	[smem:$0x3FAA] =	sst s4  }
0xd: {  	[smem:$0x3FAB] =	sst s5  }
0xe: {  	[smem:$0x3FAC] =	sst s6  }
0xf: {  	[smem:$0x3FAD] =	sst s7  }
0x10: {  	[smem:$0x3FAE] =	sst s8  }
0x11: {  	[smem:$0x3FAF] =	sst s9;
	s0 =	simm.s32 @!p0 $0x0  }
0x12: {  	s1 =	sld [smem:$0x3F95];
	s0 =	simm.s32 @p0 $0x1  }
0x13: {  	[smem:$0x3FB0] =	sst s0;
	s0 =	simm.s32 @!p1 $0x0  }
0x14: {  	s2 =	sld [smem:$0x3F94];
	s0 =	simm.s32 @p1 $0x1  }
0x15: {  	[smem:$0x3FB1] =	sst s0;
	s0 =	simm.s32 @!p2 $0x0  }
0x16: {  	s3 =	sld [smem:$0x3FDB];
	s0 =	simm.s32 @p2 $0x1  }
0x17: {  	s4 =	simm.s32 $0x1BF5;
	[smem:$0x3FB3] =	sst s0  }
0x18: {  	s0 =	sld [smem:$0x3F96];
	_ =	swait.ge [sflag:s4], $0x0  }
0x19: {  	s7 =	sld [smem:$0x3F97]  }
0x1a: {  	s8 =	sadd.s32 $0xFFFFE003, lr  }
0x1b: {  	s9 =	sadd.s32 $0xFFFFFEF7, lr;
	s5 =	simm.s32 $0xFFFFFFFF;
	p2 =	slt.u32 s8, $0xFFFFF086  }
0x1c: {  	p1 =	slt.u32 s9, $0xF7A;
	s5 =	simm.s32 @!p2 $0x0  }
0x1d: {  	s5 =	simm.s32 @p1 $0x1;
	p0 =	seq.s32 s7, s2  }
0x1e: {  	s7 =	smul.u32 @!p0 $0xF7A, s2;
	p2 =	seq.s32 @!p0 s5, $0x0  }
0x1f: {  	s9 =	smul.u32 $0xF7A, s1;
	s8 =	simm.s32 @!p0 $0x1BF5;
	p2 =	por !p2, p0  }
0x20: {  	[sflag:s8] =	ssyncset.s32 @!p0 $0xFFFFF086;
	s6 =	sadd.s32 @!p0 s3, s7;
	s7 =	simm.s32 @!p0 $0x108  }
0x21: {  	s3 =	sadd.s32 s3, s9;
	s6 =	sadd.s32 @!p0 $0x88, s6;
	s7 =	simm.s32 @p2 $0x1082  }
0x22: {  	[simem:s7], [sflag:s8] =	dma.local @!p0 [hbm:s6], $0xF7A  }
0x23: {  	s9 =	sor.u32 $0xD0000000, s2;
	s6 =	simm.s32 $0x108;
	_ =	swait.ge @!p0 [sflag:s8], $0x0  }
0x24: {  	s3 =	sadd.s32 $0x88, s3;
	s6 =	simm.s32 @!p1 $0x1082;
	[sflag:s4] =	ssyncset.s32 $0xFFFFF086  }
0x25: {  	[simem:s6], [sflag:s4] =	dma.local [hbm:s3], $0xF7A  }
0x26: {  	[smem:$0x3F97] =	sst s1;
	(tag) =	ssettag s2;
	_ =	strace s9  }
0x27: {  	s1 =	sld [smem:$0x3FA7]  }
0x28: {  	s2 =	sld [smem:$0x3FA8]  }
0x29: {  	s4 =	sld [smem:$0x3FAA]  }
0x2a: {  	p0 =	seq.s32 s5, $0x0;
	s5 =	sld [smem:$0x3FAB]  }
0x2b: {  	s6 =	sld [smem:$0x3FAC]  }
0x2c: {  	s7 =	sld [smem:$0x3FAD]  }
0x2d: {  	s3 =	simm.s32 $0x108;
	s8 =	sld [smem:$0x3FAE]  }
0x2e: {  	s3 =	simm.s32 @!p0 $0x1082;
	s9 =	sld [smem:$0x3FAF]  }
0x2f: {  	lr =	sadd.s32 s0, s3;
	s0 =	sld [smem:$0x3FA6]  }
0x30: {  	s3 =	sld [smem:$0x3FA9]  }
0x31: {  	[smem:$0x3FB2] =	sst s10  }
0x32: {  	s10 =	sld [smem:$0x3FB0];
	_ =	sdelay $0x3  }
0x33: {  	p0 =	seq.s32 s10, $0x1;
	s10 =	sld [smem:$0x3FB2];
	_ =	sdelay $0x3  }
0x34: {  	[smem:$0x3FB2] =	sst s10  }
0x35: {  	s10 =	sld [smem:$0x3FB1];
	_ =	sdelay $0x3  }
0x36: {  	p1 =	seq.s32 s10, $0x1;
	s10 =	sld [smem:$0x3FB2];
	_ =	sdelay $0x3  }
0x37: {  	[smem:$0x3FB2] =	sst s10  }
0x38: {  	s10 =	sld [smem:$0x3FB3]  }
0x39: {  	_ = 	snop;
	(pc) =	sbr.ind lr, $3  }
0x3a: {  	_ = 	snop  }
0x3b: {  	_ = 	snop  }
0x3c: {  	p2 =	seq.s32 s10, $0x1;
	s10 =	sld [smem:$0x3FB2]  }
0x3d: {  	_ =	shalt  }
0x3e: {  	_ =	shalt  }
0x3f: {  	_ =	shalt  }
0x40: {  	_ =	shalt  }
0x41: {  	_ =	shalt  }
0x42: {  	_ =	shalt  }
0x43: {  	_ =	shalt  }
0x44: {  	_ =	shalt  }
0x45: {  	_ =	shalt  }
0x46: {  	_ =	shalt  }
0x47: {  	_ =	shalt  }
0x48: {  	_ =	shalt  }
0x49: {  	_ =	shalt  }
0x4a: {  	_ =	shalt  }
0x4b: {  	_ =	shalt  }
0x4c: {  	_ =	shalt  }
0x4d: {  	_ =	shalt  }
0x4e: {  	_ =	shalt  }
0x4f: {  	_ =	shalt  }
0x50: {  	_ =	shalt  }
0x51: {  	_ =	shalt  }
0x52: {  	_ =	shalt  }
0x53: {  	_ =	shalt  }
0x54: {  	_ =	shalt  }
0x55: {  	_ =	shalt  }
0x56: {  	_ =	shalt  }
0x57: {  	_ =	shalt  }
0x58: {  	_ =	shalt  }
0x59: {  	_ =	shalt  }
0x5a: {  	_ =	shalt  }
0x5b: {  	_ =	shalt  }
0x5c: {  	_ =	shalt  }
0x5d: {  	_ =	shalt  }
0x5e: {  	_ =	shalt  }
0x5f: {  	_ =	shalt  }
0x60: {  	_ =	shalt  }
0x61: {  	_ =	shalt  }
0x62: {  	_ =	shalt  }
0x63: {  	_ =	shalt  }
0x64: {  	_ =	shalt  }
0x65: {  	_ =	shalt  }
0x66: {  	_ =	shalt  }
0x67: {  	_ =	shalt  }
0x68: {  	_ =	shalt  }
0x69: {  	_ =	shalt  }
0x6a: {  	_ =	shalt  }
0x6b: {  	_ =	shalt  }
0x6c: {  	_ =	shalt  }
0x6d: {  	_ =	shalt  }
0x6e: {  	_ =	shalt  }
0x6f: {  	_ =	shalt  }
0x70: {  	_ =	shalt  }
0x71: {  	_ =	shalt  }
0x72: {  	_ =	shalt  }
0x73: {  	_ =	shalt  }
0x74: {  	_ =	shalt  }
0x75: {  	_ =	shalt  }
0x76: {  	_ =	shalt  }
0x77: {  	_ =	shalt  }
0x78: {  	_ =	shalt  }
0x79: {  	_ =	shalt  }
0x7a: {  	_ =	shalt  }
0x7b: {  	_ =	shalt  }
0x7c: {  	_ =	shalt  }
0x7d: {  	_ =	shalt  }
0x7e: {  	_ =	shalt  }
0x7f: {  	_ =	shalt  }
0x80: {  	_ =	shalt  }
0x81: {  	_ =	shalt  }
0x82: {  	_ =	shalt  }
0x83: {  	_ =	shalt  }
0x84: {  	_ =	shalt  }
0x85: {  	_ =	shalt  }
0x86: {  	_ =	shalt  }
0x87: {  	_ =	shalt  }
.Lfunc_end0:
.L_simem_size_0:
called_computation.1_lowered:
.L_overlay_start_0:
0x88: {  	s2 =	sld [smem:$0x3FD9]  }
0x89: {  	s3 =	sld [smem:$0x3FFE];
	_ =	sdelay $0x1  }
0x8a: {  	s1 =	srdreg.scid  }
0x8b: {  	s0 =	sand.u32 $0x1, s1  }
0x8c: {  	s16 =	sshll.u32 s0, $0xA;
	s2 =	sadd.s32 s3, s2  }
0x8d: {  	s2 =	sadd.s32 s2, s16  }
0x8e: {  	[smem:$0x3FBE] =	sst s2  }
0x8f: {  	_ = 	snop  }
0x90: {  	(tm) =	ssettm $0x1  }
0x91: {  	s17 =	sld [smem:$0x3FFB];
	_ =	sdelay $0x3  }
0x92: {  	_ =	strace s17  }
0x93: {  	s2 =	sld [smem:$0x3FFC];
	_ =	sdelay $0x3  }
0x94: {  	_ =	strace s2  }
0x95: {  	s2 =	sld [smem:$0x3FFD];
	_ =	sdelay $0x3  }
0x96: {  	_ =	strace s2  }
0x97: {  	_ =	strace $0x8FFFFFFF  }
0x98: {  	s18 =	sld [smem:$0x3FDB];
	_ =	sdelay $0x1  }
0x99: {  	s19 =	simm.s32 $_scs_section_size  }
0x9a: {  	s4 =	simm.s32 $_size__tile_overlayer_lowered;
	s5 =	simm.s32 $_tile_overlayer_lowered  }
0x9b: {  	s22 =	simm.s32 $0x1BFF;
	s21 =	sshll.u32 s5, $0x1;
	s2 =	sadd.s32 s19, s18  }
0x9c: {  	s6 =	simm.s32 $0x0;
	s20 =	sshll.u32 s4, $0x1;
	s4 =	sadd.s32 s21, s2  }
0x9d: {  	[timem:s6], [sflag:s22] =	dma.local [hbm:s4], s20  }
0x9e: {  	_ =	swait.ge [sflag:s22], s20  }
0x9f: {  	s3 =	ssub.s32 $0x0, s20;
	[sflag:s22] =	ssyncset.done $0x0  }
0xa0: {  	[sflag:s22] =	ssyncadd.s32 s3;
	_ =	sdelay $0x1  }
0xa1: {  	s23 =	simm.s32 $0x1B8B  }
0xa2: {  	_ =	swait.ge [sflag:s23], $0x1  }
0xa3: {  	[sflag:s23] =	ssyncset.done $0x0  }
0xa4: {  	s25 =	simm.s32 $0x1B8E;
	s24 =	sld [smem:$0x3FFE];
	[sflag:s23] =	ssyncadd.s32 $0xFFFFFFFF  }
0xa5: {  	s26 =	simm.s32 $execute0_lowered;
	[smem:$0x3FD2] =	sst s25  }
0xa6: {  	s4 =	sshll.u32 s26, $0x1;
	_ =	strace $0x80000046;
	[dreg:$0x1] =	wrdreg $0xFFFFFFFF  }
0xa7: {  	s28 =	simm.s32 $_size_execute0_lowered;
	s2 =	sadd.s32 s2, s4;
	[dreg:$0x0] =	wrdreg $0x0  }
0xa8: {  	s4 =	sshll.u32 s28, $0x1;
	[dreg:$0x2] =	wrdreg s2  }
0xa9: {  	[dreg:$0x3] =	wrdreg s4  }
0xaa: {  	[dreg:$0x4] =	wrdreg $0xC0  }
0xab: {  	_ =	task [dreg:s6], $0x5FFFF  }
0xac: {  	[dreg:$0x1] =	wrdreg $0xFFFFFFFF  }
0xad: {  	[dreg:$0x0] =	wrdreg $0x60  }
0xae: {  	[dreg:$0x2] =	wrdreg s24  }
0xaf: {  	[dreg:$0x3] =	wrdreg $0xA  }
0xb0: {  	_ =	task.clear_ibuf [dreg:s6], $0x4FFFF;
	_ =	strace $0x90000046  }
0xb1: {  	s29 =	simm.s32 $0xA;
	_ =	strace $0x80000048  }
0xb2: {  	_ =	swait.ge [sflag:s29], $0x1  }
0xb3: {  	[sflag:s29] =	ssyncadd.s32 $0xFFFFFFFF  }
0xb4: {  	_ =	strace $0x90000048  }
0xb5: {  	_ =	sfence  }
0xb6: {  	s30 =	sld [smem:$0x0];
	_ =	sdelay $0x2  }
0xb7: {  	s31 =	sshll.u32 s1, $0xD;
	s1 =	sshrl.u32 s1, $0x2  }
0xb8: {  	s3 =	sand.u32 $0x4000, s31;
	s1 =	sadd.s32 s1, s30  }
0xb9: {  	s0 =	sor.u32 s3, s0;
	s1 =	sshll.u32 s1, $0x11  }
0xba: {  	s0 =	sor.u32 s1, s0  }
0xbb: {  	s0 =	sadd.s32 $0x8F2B, s0  }
0xbc: {  	[sflag:s0] =	ssyncadd.remote.s32 $0x1  }
0xbd: {  	_ =	sfence.sel $0xFFFF  }
0xbe: {  	[dreg:$0x0] =	wrdreg $0xFFFFFFFF;
	(pc) =	sbr.abs _section_cstart, $3  }
0xbf: {  	[dreg:$0x1] =	wrdreg $0xFFFFFFFF  }
0xc0: {  	_ =	task.clear_ibuf [dreg:s6], $0x2FFFF;
	_ =	strace $0x9FFFFFFF  }
0xc1: {  	(tm) =	ssettm $0x7FFFFFFF  }
tec
execute0_lowered:
.L_overlay_start_1:
0x0: {  	(tag) =	ssettag $0x1  }
0x1: {  	s1 =	srdreg.scid  }
0x2: {  	s0 =	stileid.u32;
	s16 =	sand.u32 $0x1, s1  }
0x3: {  	s30 =	sshll.u32 s0, $0xA;
	s2 =	sshll.u32 s16, $0x9  }
0x4: {  	s10 =	rddreg [dreg:$0x0];
	s11 =	sor.u32 s2, s30  }
0x5: {  	s1 =	rddreg [dreg:$0x1];
	s2 =	simm.s32 $0x0;
	s3 =	sshrl.u32 s11, $0x3  }
0x6: {  	[smem:$0x7FF] =	sst s2;
	s3 =	sadd.s32 s3, s10  }
0x7: {  	_ =	strace $0x80000047;
	s4 =	sadd.s32 $0x1C00, s3;
	s3 =	simm.s32 $0x3  }
0x8: {  	[tilespmem:s2], [sflag:$0x3] =	stream.linear.gather [hbm4b:s4+s2], $0x200, $0x38;
	[tilespmem:$0x8200] =	vst v63  }
0x9: {  	_ =	swait.ge [sflag:s3], $0x200  }
0xa: {  	s6 =	simm.s32 $0x80;
	[sflag:s3] =	ssyncset.done $0x0  }
0xb: {  	s7 =	simm.s32 $0x200;
	s5 =	sadd.s32 $0x2400, s10;
	[sflag:s3] =	ssyncadd.s32 $0xFFFFFE00  }
0xc: {  	[tilespmem:s7], [sflag:$0x1] =	stream.indirect.gather [hbm4b:s5+s6], $0x80, s2, s6, $0xb8;
	[tilespmem:$0x8200] =	vst v63  }
0xd: {  	s8 =	simm.s32 $0x4200;
	s9 =	simm.s32 $0x1  }
0xe: {  	[tilespmem:s8], [sflag:$0x2] =	stream.indirect.gather [hbm4b:s5+s6], $0x80, s6, s6, $0xb8;
	[tilespmem:$0x8200] =	vst v63  }
0xf: {  	s11 =	sshll.u32 s11, $0x4;
	_ =	swait.ge [sflag:s9], $0x4000  }
0x10: {  	s17 =	sadd.s32 s11, s10;
	[sflag:s9] =	ssyncset.done $0x0  }
0x11: {  	s10 =	sadd.s32 $0x7C2400, s17;
	[sflag:s9] =	ssyncadd.s32 $0xFFFFC000  }
0x12: {  	[hbm4b:s10+s2] =	stream.linear.scatter [tilespmem:s7], [sflag:$0x3], $0x4000, $0x38;
	[tilespmem:$0x8200] =	vst v63  }
0x13: {  	_ =	swait.ge [sflag:s3], $0x4000  }
0x14: {  	[sflag:s3] =	ssyncset.done $0x0  }
0x15: {  	s12 =	simm.s32 $0x2;
	s11 =	simm.s32 $0x100;
	[sflag:s3] =	ssyncadd.s32 $0xFFFFC000  }
0x16: {  	[tilespmem:s7], [sflag:$0x1] =	stream.indirect.gather [hbm4b:s5+s6], $0x80, s11, s6, $0xb8;
	[tilespmem:$0x8200] =	vst v63  }
0x17: {  	_ =	swait.ge [sflag:s12], $0x4000  }
0x18: {  	[sflag:s12] =	ssyncset.done $0x0  }
0x19: {  	s13 =	sadd.s32 $0x7C2C00, s17;
	[sflag:s12] =	ssyncadd.s32 $0xFFFFC000  }
0x1a: {  	[hbm4b:s13+s2] =	stream.linear.scatter [tilespmem:s8], [sflag:$0x3], $0x4000, $0x38;
	[tilespmem:$0x8200] =	vst v63  }
0x1b: {  	_ =	swait.ge [sflag:s3], $0x4000  }
0x1c: {  	[sflag:s3] =	ssyncset.done $0x0  }
0x1d: {  	s14 =	simm.s32 $0x180;
	[sflag:s3] =	ssyncadd.s32 $0xFFFFC000  }
0x1e: {  	[tilespmem:s8], [sflag:$0x2] =	stream.indirect.gather [hbm4b:s5+s6], $0x80, s14, s6, $0xb8;
	[tilespmem:$0x8200] =	vst v63  }
0x1f: {  	_ =	swait.ge [sflag:s9], $0x4000  }
0x20: {  	[sflag:s9] =	ssyncset.done $0x0  }
0x21: {  	s16 =	ssub.s32 $0x2, s16;
	s15 =	sadd.s32 $0x7C3400, s17;
	[sflag:s9] =	ssyncadd.s32 $0xFFFFC000  }
0x22: {  	[hbm4b:s15+s2] =	stream.linear.scatter [tilespmem:s7], [sflag:$0x3], $0x4000, $0x38;
	[tilespmem:$0x8200] =	vst v63  }
0x23: {  	s18 =	sshrl.u32 s16, $0x1;
	_ =	swait.ge [sflag:s3], $0x4000  }
0x24: {  	s18 =	ssub.s32 s16, s18;
	[sflag:s3] =	ssyncset.done $0x0  }
0x25: {  	s31 =	smax.u32 s18, $0x1;
	[sflag:s3] =	ssyncadd.s32 $0xFFFFC000  }
0x26: {  	p0 =	sne.s32 s31, $0x1;
	_ =	swait.ge [sflag:s12], $0x4000  }
.Ltmp0:
0x27: {  	[sflag:s12] =	ssyncset.done $0x0;
	(pc) =	sbr.rel @!p0 .LBB2_2-.Ltmp0, $4  }
0x28: {  	s16 =	sadd.s32 $0x7C3C00, s17;
	[sflag:s12] =	ssyncadd.s32 $0xFFFFC000  }
0x29: {  	[hbm4b:s16+s2] =	stream.linear.scatter [tilespmem:s8], [sflag:$0x3], $0x4000, $0x38;
	[tilespmem:$0x8200] =	vst v63  }
0x2a: {  	_ =	swait.ge [sflag:s3], $0x4000  }
0x2b: {  	s17 =	sadd.s32 $0xFFFFFFFF, s31;
	[sflag:s3] =	ssyncset.done $0x0  }
.LBB2_1:
0x2c: {  	p0 =	sne.s32 s17, $0x1;
	s17 =	sadd.s32 $0xFFFFFFFF, s17;
	[sflag:s3] =	ssyncadd.s32 $0xFFFFC000  }
0x2d: {  	[tilespmem:s2], [sflag:$0x3] =	stream.linear.gather [hbm4b:s4+s2], $0x200, $0x38;
	[tilespmem:$0x8200] =	vst v63  }
0x2e: {  	_ =	swait.ge [sflag:s3], $0x200  }
0x2f: {  	[sflag:s3] =	ssyncset.done $0x0  }
0x30: {  	[sflag:s3] =	ssyncadd.s32 $0xFFFFFE00  }
0x31: {  	[tilespmem:s7], [sflag:$0x1] =	stream.indirect.gather [hbm4b:s5+s6], $0x80, s2, s6, $0xb8;
	[tilespmem:$0x8200] =	vst v63  }
0x32: {  	_ = 	snop  }
0x33: {  	[tilespmem:s8], [sflag:$0x2] =	stream.indirect.gather [hbm4b:s5+s6], $0x80, s6, s6, $0xb8;
	[tilespmem:$0x8200] =	vst v63  }
0x34: {  	_ =	swait.ge [sflag:s9], $0x4000  }
0x35: {  	[sflag:s9] =	ssyncset.done $0x0  }
0x36: {  	[sflag:s9] =	ssyncadd.s32 $0xFFFFC000  }
0x37: {  	[hbm4b:s10+s2] =	stream.linear.scatter [tilespmem:s7], [sflag:$0x3], $0x4000, $0x38;
	[tilespmem:$0x8200] =	vst v63  }
0x38: {  	_ =	swait.ge [sflag:s3], $0x4000  }
0x39: {  	[sflag:s3] =	ssyncset.done $0x0  }
0x3a: {  	[sflag:s3] =	ssyncadd.s32 $0xFFFFC000  }
0x3b: {  	[tilespmem:s7], [sflag:$0x1] =	stream.indirect.gather [hbm4b:s5+s6], $0x80, s11, s6, $0xb8;
	[tilespmem:$0x8200] =	vst v63  }
0x3c: {  	_ =	swait.ge [sflag:s12], $0x4000  }
0x3d: {  	[sflag:s12] =	ssyncset.done $0x0  }
0x3e: {  	[sflag:s12] =	ssyncadd.s32 $0xFFFFC000  }
0x3f: {  	[hbm4b:s13+s2] =	stream.linear.scatter [tilespmem:s8], [sflag:$0x3], $0x4000, $0x38;
	[tilespmem:$0x8200] =	vst v63  }
0x40: {  	_ =	swait.ge [sflag:s3], $0x4000  }
0x41: {  	[sflag:s3] =	ssyncset.done $0x0  }
0x42: {  	[sflag:s3] =	ssyncadd.s32 $0xFFFFC000  }
0x43: {  	[tilespmem:s8], [sflag:$0x2] =	stream.indirect.gather [hbm4b:s5+s6], $0x80, s14, s6, $0xb8;
	[tilespmem:$0x8200] =	vst v63  }
0x44: {  	_ =	swait.ge [sflag:s9], $0x4000  }
0x45: {  	[sflag:s9] =	ssyncset.done $0x0  }
0x46: {  	[sflag:s9] =	ssyncadd.s32 $0xFFFFC000  }
0x47: {  	[hbm4b:s15+s2] =	stream.linear.scatter [tilespmem:s7], [sflag:$0x3], $0x4000, $0x38;
	[tilespmem:$0x8200] =	vst v63  }
0x48: {  	_ =	swait.ge [sflag:s3], $0x4000  }
0x49: {  	[sflag:s3] =	ssyncset.done $0x0  }
0x4a: {  	[sflag:s3] =	ssyncadd.s32 $0xFFFFC000  }
0x4b: {  	_ =	swait.ge [sflag:s12], $0x4000  }
.Ltmp1:
0x4c: {  	[sflag:s12] =	ssyncset.done $0x0;
	(pc) =	sbr.rel @p0 .LBB2_1-.Ltmp1, $4  }
0x4d: {  	[sflag:s12] =	ssyncadd.s32 $0xFFFFC000  }
0x4e: {  	[hbm4b:s16+s2] =	stream.linear.scatter [tilespmem:s8], [sflag:$0x3], $0x4000, $0x38;
	[tilespmem:$0x8200] =	vst v63  }
0x4f: {  	_ =	swait.ge [sflag:s3], $0x4000  }
0x50: {  	[sflag:s3] =	ssyncset.done $0x0  }
.LBB2_2:
0x51: {  	[sflag:s3] =	ssyncadd.s32 $0xFFFFC000  }
0x52: {  	_ =	sfence.sel $0x180000  }
0x53: {  	[bflag:$0x0] =	sbarrier.arrive $0xFFFF  }
0x54: {  	p0 =	sne.s32 s0, $0x0;
	_ =	strace $0x90000047  }
0x55: {  	s0 =	sadd.s32 @!p0 $0x100000, s1;
	[bflag:$0x2] =	sbarrier.arrive $0xFFFF  }
0x56: {  	[sflag:s0] =	ssyncadd.tile.s32 @!p0 $0x1;
	_ =	shalt  }
.Lfunc_end2:
_tile_overlayer_lowered:
.L_overlay_start_2:
0x57: {  	(tag) =	ssettag $0x2  }
0x58: {  	s0 =	rddreg [dreg:$0x0];
	s2 =	stileid.u32  }
0x59: {  	s1 =	rddreg [dreg:$0x1];
	p0 =	sne.s32 s2, $0x0  }
0x5a: {  	s3 =	rddreg [dreg:$0x2];
	[bflag:$0x3] =	sbarrier.arrive $0xFFFF;
	s2 =	simm.s32 @!p0 $0x1C03  }
0x5b: {  	[timem:s3], [sflag:s2] =	dma.local @!p0 [hbm:s0], s1  }
0x5c: {  	s0 =	simm.s32 @!p0 $0x3  }
0x5d: {  	_ =	swait.ge @!p0 [sflag:s0], s1  }
0x5e: {  	s1 =	ssub.s32 @!p0 $0x0, s1;
	[sflag:s0] =	ssyncset.done @!p0 $0x0  }
0x5f: {  	[sflag:s0] =	ssyncadd.s32 @!p0 s1  }
0x60: {  	[bflag:$0x3] =	sbarrier.arrive $0xFFFF  }
0x61: {  	_ =	shalt  }

// kernel: kernel.7.cloned.1.call-start
scs
__scs_entry_jumppad:
0x0: {  	(pc) =	sbr.rel $0x88, $3  }
0x1: {  	(tag) =	ssettag $0x0;
	lr =	simm.s32 $0x1  }
0x2: {  	[smem:$0x3F97] =	sst lr;
	_ =	strace $0xD0000000  }
0x3: {  	_ = 	snop  }
0x4: {  	_ = 	snop  }
0x5: {  	_ = 	snop  }
0x6: {  	_ = 	snop  }
0x7: {  	_ = 	snop  }
__scs_overlays_trampoline_lowered:
0x8: {  	[smem:$0x3FA6] =	sst s0  }
0x9: {  	[smem:$0x3FA7] =	sst s1  }
0xa: {  	[smem:$0x3FA8] =	sst s2  }
0xb: {  	[smem:$0x3FA9] =	sst s3  }
0xc: {  	[smem:$0x3FAA] =	sst s4  }
0xd: {  	[smem:$0x3FAB] =	sst s5  }
0xe: {  	[smem:$0x3FAC] =	sst s6  }
0xf: {  	[smem:$0x3FAD] =	sst s7  }
0x10: {  	[smem:$0x3FAE] =	sst s8  }
0x11: {  	[smem:$0x3FAF] =	sst s9;
	s0 =	simm.s32 @!p0 $0x0  }
0x12: {  	s1 =	sld [smem:$0x3F95];
	s0 =	simm.s32 @p0 $0x1  }
0x13: {  	[smem:$0x3FB0] =	sst s0;
	s0 =	simm.s32 @!p1 $0x0  }
0x14: {  	s2 =	sld [smem:$0x3F94];
	s0 =	simm.s32 @p1 $0x1  }
0x15: {  	[smem:$0x3FB1] =	sst s0;
	s0 =	simm.s32 @!p2 $0x0  }
0x16: {  	s3 =	sld [smem:$0x3FDB];
	s0 =	simm.s32 @p2 $0x1  }
0x17: {  	s4 =	simm.s32 $0x1BF5;
	[smem:$0x3FB3] =	sst s0  }
0x18: {  	s0 =	sld [smem:$0x3F96];
	_ =	swait.ge [sflag:s4], $0x0  }
0x19: {  	s7 =	sld [smem:$0x3F97]  }
0x1a: {  	s8 =	sadd.s32 $0xFFFFE003, lr  }
0x1b: {  	s9 =	sadd.s32 $0xFFFFFEF7, lr;
	s5 =	simm.s32 $0xFFFFFFFF;
	p2 =	slt.u32 s8, $0xFFFFF086  }
0x1c: {  	p1 =	slt.u32 s9, $0xF7A;
	s5 =	simm.s32 @!p2 $0x0  }
0x1d: {  	s5 =	simm.s32 @p1 $0x1;
	p0 =	seq.s32 s7, s2  }
0x1e: {  	s7 =	smul.u32 @!p0 $0xF7A, s2;
	p2 =	seq.s32 @!p0 s5, $0x0  }
0x1f: {  	s9 =	smul.u32 $0xF7A, s1;
	s8 =	simm.s32 @!p0 $0x1BF5;
	p2 =	por !p2, p0  }
0x20: {  	[sflag:s8] =	ssyncset.s32 @!p0 $0xFFFFF086;
	s6 =	sadd.s32 @!p0 s3, s7;
	s7 =	simm.s32 @!p0 $0x108  }
0x21: {  	s3 =	sadd.s32 s3, s9;
	s6 =	sadd.s32 @!p0 $0x88, s6;
	s7 =	simm.s32 @p2 $0x1082  }
0x22: {  	[simem:s7], [sflag:s8] =	dma.local @!p0 [hbm:s6], $0xF7A  }
0x23: {  	s9 =	sor.u32 $0xD0000000, s2;
	s6 =	simm.s32 $0x108;
	_ =	swait.ge @!p0 [sflag:s8], $0x0  }
0x24: {  	s3 =	sadd.s32 $0x88, s3;
	s6 =	simm.s32 @!p1 $0x1082;
	[sflag:s4] =	ssyncset.s32 $0xFFFFF086  }
0x25: {  	[simem:s6], [sflag:s4] =	dma.local [hbm:s3], $0xF7A  }
0x26: {  	[smem:$0x3F97] =	sst s1;
	(tag) =	ssettag s2;
	_ =	strace s9  }
0x27: {  	s1 =	sld [smem:$0x3FA7]  }
0x28: {  	s2 =	sld [smem:$0x3FA8]  }
0x29: {  	s4 =	sld [smem:$0x3FAA]  }
0x2a: {  	p0 =	seq.s32 s5, $0x0;
	s5 =	sld [smem:$0x3FAB]  }
0x2b: {  	s6 =	sld [smem:$0x3FAC]  }
0x2c: {  	s7 =	sld [smem:$0x3FAD]  }
0x2d: {  	s3 =	simm.s32 $0x108;
	s8 =	sld [smem:$0x3FAE]  }
0x2e: {  	s3 =	simm.s32 @!p0 $0x1082;
	s9 =	sld [smem:$0x3FAF]  }
0x2f: {  	lr =	sadd.s32 s0, s3;
	s0 =	sld [smem:$0x3FA6]  }
0x30: {  	s3 =	sld [smem:$0x3FA9]  }
0x31: {  	[smem:$0x3FB2] =	sst s10  }
0x32: {  	s10 =	sld [smem:$0x3FB0];
	_ =	sdelay $0x3  }
0x33: {  	p0 =	seq.s32 s10, $0x1;
	s10 =	sld [smem:$0x3FB2];
	_ =	sdelay $0x3  }
0x34: {  	[smem:$0x3FB2] =	sst s10  }
0x35: {  	s10 =	sld [smem:$0x3FB1];
	_ =	sdelay $0x3  }
0x36: {  	p1 =	seq.s32 s10, $0x1;
	s10 =	sld [smem:$0x3FB2];
	_ =	sdelay $0x3  }
0x37: {  	[smem:$0x3FB2] =	sst s10  }
0x38: {  	s10 =	sld [smem:$0x3FB3]  }
0x39: {  	_ = 	snop;
	(pc) =	sbr.ind lr, $3  }
0x3a: {  	_ = 	snop  }
0x3b: {  	_ = 	snop  }
0x3c: {  	p2 =	seq.s32 s10, $0x1;
	s10 =	sld [smem:$0x3FB2]  }
0x3d: {  	_ =	shalt  }
0x3e: {  	_ =	shalt  }
0x3f: {  	_ =	shalt  }
0x40: {  	_ =	shalt  }
0x41: {  	_ =	shalt  }
0x42: {  	_ =	shalt  }
0x43: {  	_ =	shalt  }
0x44: {  	_ =	shalt  }
0x45: {  	_ =	shalt  }
0x46: {  	_ =	shalt  }
0x47: {  	_ =	shalt  }
0x48: {  	_ =	shalt  }
0x49: {  	_ =	shalt  }
0x4a: {  	_ =	shalt  }
0x4b: {  	_ =	shalt  }
0x4c: {  	_ =	shalt  }
0x4d: {  	_ =	shalt  }
0x4e: {  	_ =	shalt  }
0x4f: {  	_ =	shalt  }
0x50: {  	_ =	shalt  }
0x51: {  	_ =	shalt  }
0x52: {  	_ =	shalt  }
0x53: {  	_ =	shalt  }
0x54: {  	_ =	shalt  }
0x55: {  	_ =	shalt  }
0x56: {  	_ =	shalt  }
0x57: {  	_ =	shalt  }
0x58: {  	_ =	shalt  }
0x59: {  	_ =	shalt  }
0x5a: {  	_ =	shalt  }
0x5b: {  	_ =	shalt  }
0x5c: {  	_ =	shalt  }
0x5d: {  	_ =	shalt  }
0x5e: {  	_ =	shalt  }
0x5f: {  	_ =	shalt  }
0x60: {  	_ =	shalt  }
0x61: {  	_ =	shalt  }
0x62: {  	_ =	shalt  }
0x63: {  	_ =	shalt  }
0x64: {  	_ =	shalt  }
0x65: {  	_ =	shalt  }
0x66: {  	_ =	shalt  }
0x67: {  	_ =	shalt  }
0x68: {  	_ =	shalt  }
0x69: {  	_ =	shalt  }
0x6a: {  	_ =	shalt  }
0x6b: {  	_ =	shalt  }
0x6c: {  	_ =	shalt  }
0x6d: {  	_ =	shalt  }
0x6e: {  	_ =	shalt  }
0x6f: {  	_ =	shalt  }
0x70: {  	_ =	shalt  }
0x71: {  	_ =	shalt  }
0x72: {  	_ =	shalt  }
0x73: {  	_ =	shalt  }
0x74: {  	_ =	shalt  }
0x75: {  	_ =	shalt  }
0x76: {  	_ =	shalt  }
0x77: {  	_ =	shalt  }
0x78: {  	_ =	shalt  }
0x79: {  	_ =	shalt  }
0x7a: {  	_ =	shalt  }
0x7b: {  	_ =	shalt  }
0x7c: {  	_ =	shalt  }
0x7d: {  	_ =	shalt  }
0x7e: {  	_ =	shalt  }
0x7f: {  	_ =	shalt  }
0x80: {  	_ =	shalt  }
0x81: {  	_ =	shalt  }
0x82: {  	_ =	shalt  }
0x83: {  	_ =	shalt  }
0x84: {  	_ =	shalt  }
0x85: {  	_ =	shalt  }
0x86: {  	_ =	shalt  }
0x87: {  	_ =	shalt  }
.Lfunc_end0:
.L_simem_size_0:
called_computation_lowered:
.L_overlay_start_0:
0x88: {  	s2 =	sld [smem:$0x3FD9]  }
0x89: {  	s3 =	sld [smem:$0x3FFE];
	_ =	sdelay $0x1  }
0x8a: {  	s1 =	srdreg.scid  }
0x8b: {  	s0 =	sand.u32 $0x1, s1  }
0x8c: {  	s17 =	sshll.u32 s0, $0xA;
	s2 =	sadd.s32 s3, s2  }
0x8d: {  	s2 =	sadd.s32 s2, s17  }
0x8e: {  	[smem:$0x3FBE] =	sst s2  }
0x8f: {  	_ = 	snop  }
0x90: {  	(tm) =	ssettm $0x1  }
0x91: {  	s18 =	sld [smem:$0x3FFB];
	_ =	sdelay $0x3  }
0x92: {  	_ =	strace s18  }
0x93: {  	s2 =	sld [smem:$0x3FFC];
	_ =	sdelay $0x3  }
0x94: {  	_ =	strace s2  }
0x95: {  	s2 =	sld [smem:$0x3FFD];
	_ =	sdelay $0x3  }
0x96: {  	_ =	strace s2  }
0x97: {  	_ =	strace $0x8FFFFFFF  }
0x98: {  	s19 =	sld [smem:$0x3FDB];
	_ =	sdelay $0x1  }
0x99: {  	s20 =	simm.s32 $_scs_section_size  }
0x9a: {  	s4 =	simm.s32 $_size__tile_overlayer_lowered;
	s5 =	simm.s32 $_tile_overlayer_lowered  }
0x9b: {  	s6 =	simm.s32 $0x1BFF;
	s21 =	sshll.u32 s5, $0x1;
	s3 =	sadd.s32 s20, s19  }
0x9c: {  	s22 =	simm.s32 $0x0;
	s4 =	sshll.u32 s4, $0x1;
	s5 =	sadd.s32 s21, s3  }
0x9d: {  	[timem:s22], [sflag:s6] =	dma.local [hbm:s5], s4  }
0x9e: {  	_ =	swait.ge [sflag:s6], s4  }
0x9f: {  	s4 =	ssub.s32 $0x0, s4;
	[sflag:s6] =	ssyncset.done $0x0  }
0xa0: {  	[sflag:s6] =	ssyncadd.s32 s4;
	_ =	sdelay $0x1  }
0xa1: {  	s23 =	simm.s32 $0x1B8B  }
0xa2: {  	_ =	swait.ge [sflag:s23], $0x1  }
0xa3: {  	[sflag:s23] =	ssyncset.done $0x0  }
0xa4: {  	[sflag:s23] =	ssyncadd.s32 $0xFFFFFFFF  }
0xa5: {  	s4 =	sld [smem:$0x0]  }
0xa6: {  	s5 =	sand.u32 $0xFFFFFFFE, s1  }
0xa7: {  	p0 =	sne.s32 s1, s5  }
0xa8: {  	s5 =	sshll.u32 @p0 s5, $0xE  }
0xa9: {  	s5 =	sadd.s32 @p0 $0x11B8D, s5;
	s6 =	sshll.u32 @p0 s4, $0x11  }
0xaa: {  	s5 =	sor.u32 @p0 s6, s5  }
0xab: {  	[sflag:s5] =	ssyncadd.remote.s32 @p0 $0x1;
	_ =	sdelay $0x1  }
0xac: {  	s5 =	simm.s32 @p0 $0x1B8D  }
0xad: {  	_ =	swait.eq @p0 [sflag:s5], $0x1  }
0xae: {  	[sflag:s5] =	ssyncadd.s32 @p0 $0xFFFFFFFF  }
0xaf: {  	s6 =	sshll.u32 @!p0 s1, $0xE  }
0xb0: {  	s6 =	sor.u32 @!p0 $0x4000, s6;
	s5 =	simm.s32 @!p0 $0x1B8D  }
0xb1: {  	s4 =	sshll.u32 @!p0 s4, $0x11;
	s6 =	sadd.s32 @!p0 $0x11B8D, s6;
	_ =	swait.eq @!p0 [sflag:s5], $0x1  }
0xb2: {  	s4 =	sor.u32 @!p0 s4, s6;
	[sflag:s5] =	ssyncadd.s32 @!p0 $0xFFFFFFFF  }
0xb3: {  	s25 =	simm.s32 $0x1B8E;
	s24 =	sld [smem:$0x3FFE];
	[sflag:s4] =	ssyncadd.remote.s32 @!p0 $0x1  }
0xb4: {  	s26 =	simm.s32 $execute0_lowered;
	[smem:$0x3FD2] =	sst s25  }
0xb5: {  	s5 =	sshll.u32 s26, $0x1;
	_ =	strace $0x80000049;
	[dreg:$0x1] =	wrdreg $0xFFFFFFFF  }
0xb6: {  	s28 =	simm.s32 $_size_execute0_lowered;
	s3 =	sadd.s32 s3, s5;
	[dreg:$0x0] =	wrdreg $0x0  }
0xb7: {  	s5 =	sshll.u32 s28, $0x1;
	[dreg:$0x2] =	wrdreg s3  }
0xb8: {  	[dreg:$0x3] =	wrdreg s5  }
0xb9: {  	[dreg:$0x4] =	wrdreg $0xC0  }
0xba: {  	_ =	task [dreg:s22], $0x5FFFF  }
0xbb: {  	[dreg:$0x1] =	wrdreg $0xFFFFFFFF  }
0xbc: {  	[dreg:$0x0] =	wrdreg $0x60  }
0xbd: {  	[dreg:$0x2] =	wrdreg s24  }
0xbe: {  	[dreg:$0x3] =	wrdreg $0x9  }
0xbf: {  	_ =	task.clear_ibuf [dreg:s22], $0x4FFFF;
	_ =	strace $0x90000049  }
0xc0: {  	s29 =	simm.s32 $0x9;
	_ =	strace $0x8000004B  }
0xc1: {  	_ =	swait.ge [sflag:s29], $0x1  }
0xc2: {  	[sflag:s29] =	ssyncadd.s32 $0xFFFFFFFF  }
0xc3: {  	_ =	strace $0x9000004B  }
0xc4: {  	_ =	sfence  }
0xc5: {  	s30 =	sld [smem:$0x0];
	_ =	sdelay $0x2  }
0xc6: {  	s31 =	sshll.u32 s1, $0xD;
	s1 =	sshrl.u32 s1, $0x2  }
0xc7: {  	s4 =	sand.u32 $0x4000, s31;
	s1 =	sadd.s32 s1, s30  }
0xc8: {  	s0 =	sor.u32 s4, s0;
	s1 =	sshll.u32 s1, $0x11  }
0xc9: {  	s0 =	sor.u32 s1, s0  }
0xca: {  	s0 =	sadd.s32 $0x8F2B, s0  }
0xcb: {  	[sflag:s0] =	ssyncadd.remote.s32 $0x1  }
0xcc: {  	_ =	sfence.sel $0xFFFF  }
0xcd: {  	[dreg:$0x0] =	wrdreg $0xFFFFFFFF;
	(pc) =	sbr.abs _section_cstart, $3  }
0xce: {  	[dreg:$0x1] =	wrdreg $0xFFFFFFFF  }
0xcf: {  	_ =	task.clear_ibuf [dreg:s22], $0x2FFFF;
	_ =	strace $0x9FFFFFFF  }
0xd0: {  	(tm) =	ssettm $0x7FFFFFFF  }
0xd1: {  	_ =	shalt  }
tec
execute0_lowered:
.L_overlay_start_1:
0x0: {  	(tag) =	ssettag $0x1  }
0x1: {  	s1 =	srdreg.scid  }
0x2: {  	s0 =	stileid.u32;
	s16 =	sand.u32 $0x1, s1  }
0x3: {  	s30 =	sshll.u32 s0, $0xA;
	s2 =	sshll.u32 s16, $0x9  }
0x4: {  	s10 =	rddreg [dreg:$0x0];
	s11 =	sor.u32 s2, s30  }
0x5: {  	s1 =	rddreg [dreg:$0x1];
	s2 =	simm.s32 $0x0;
	s3 =	sshrl.u32 s11, $0x3  }
0x6: {  	[smem:$0x7FF] =	sst s2;
	s3 =	sadd.s32 s3, s10  }
0x7: {  	_ =	strace $0x8000004A;
	s4 =	sadd.s32 $0x8E2400, s3;
	s3 =	simm.s32 $0x3  }
0x8: {  	[tilespmem:s2], [sflag:$0x3] =	stream.linear.gather [hbm4b:s4+s2], $0x200, $0x38;
	[tilespmem:$0x8200] =	vst v63  }
0x9: {  	_ =	swait.ge [sflag:s3], $0x200  }
0xa: {  	s6 =	simm.s32 $0x80;
	[sflag:s3] =	ssyncset.done $0x0  }
0xb: {  	s7 =	simm.s32 $0x200;
	s5 =	sadd.s32 $0x802400, s10;
	[sflag:s3] =	ssyncadd.s32 $0xFFFFFE00  }
0xc: {  	[tilespmem:s7], [sflag:$0x1] =	stream.indirect.gather [hbm4b:s5+s6], $0x80, s2, s6, $0xb8;
	[tilespmem:$0x8200] =	vst v63  }
0xd: {  	s8 =	simm.s32 $0x4200;
	s9 =	simm.s32 $0x1  }
0xe: {  	[tilespmem:s8], [sflag:$0x2] =	stream.indirect.gather [hbm4b:s5+s6], $0x80, s6, s6, $0xb8;
	[tilespmem:$0x8200] =	vst v63  }
0xf: {  	s11 =	sshll.u32 s11, $0x4;
	_ =	swait.ge [sflag:s9], $0x4000  }
0x10: {  	s17 =	sadd.s32 s11, s10;
	[sflag:s9] =	ssyncset.done $0x0  }
0x11: {  	s10 =	sadd.s32 $0x8E2C00, s17;
	[sflag:s9] =	ssyncadd.s32 $0xFFFFC000  }
0x12: {  	[hbm4b:s10+s2] =	stream.linear.scatter [tilespmem:s7], [sflag:$0x3], $0x4000, $0x38;
	[tilespmem:$0x8200] =	vst v63  }
0x13: {  	_ =	swait.ge [sflag:s3], $0x4000  }
0x14: {  	[sflag:s3] =	ssyncset.done $0x0  }
0x15: {  	s12 =	simm.s32 $0x2;
	s11 =	simm.s32 $0x100;
	[sflag:s3] =	ssyncadd.s32 $0xFFFFC000  }
0x16: {  	[tilespmem:s7], [sflag:$0x1] =	stream.indirect.gather [hbm4b:s5+s6], $0x80, s11, s6, $0xb8;
	[tilespmem:$0x8200] =	vst v63  }
0x17: {  	_ =	swait.ge [sflag:s12], $0x4000  }
0x18: {  	[sflag:s12] =	ssyncset.done $0x0  }
0x19: {  	s13 =	sadd.s32 $0x8E3400, s17;
	[sflag:s12] =	ssyncadd.s32 $0xFFFFC000  }
0x1a: {  	[hbm4b:s13+s2] =	stream.linear.scatter [tilespmem:s8], [sflag:$0x3], $0x4000, $0x38;
	[tilespmem:$0x8200] =	vst v63  }
0x1b: {  	_ =	swait.ge [sflag:s3], $0x4000  }
0x1c: {  	[sflag:s3] =	ssyncset.done $0x0  }
0x1d: {  	s14 =	simm.s32 $0x180;
	[sflag:s3] =	ssyncadd.s32 $0xFFFFC000  }
0x1e: {  	[tilespmem:s8], [sflag:$0x2] =	stream.indirect.gather [hbm4b:s5+s6], $0x80, s14, s6, $0xb8;
	[tilespmem:$0x8200] =	vst v63  }
0x1f: {  	_ =	swait.ge [sflag:s9], $0x4000  }
0x20: {  	[sflag:s9] =	ssyncset.done $0x0  }
0x21: {  	s16 =	ssub.s32 $0x2, s16;
	s15 =	sadd.s32 $0x8E3C00, s17;
	[sflag:s9] =	ssyncadd.s32 $0xFFFFC000  }
0x22: {  	[hbm4b:s15+s2] =	stream.linear.scatter [tilespmem:s7], [sflag:$0x3], $0x4000, $0x38;
	[tilespmem:$0x8200] =	vst v63  }
0x23: {  	s18 =	sshrl.u32 s16, $0x1;
	_ =	swait.ge [sflag:s3], $0x4000  }
0x24: {  	s18 =	ssub.s32 s16, s18;
	[sflag:s3] =	ssyncset.done $0x0  }
0x25: {  	s31 =	smax.u32 s18, $0x1;
	[sflag:s3] =	ssyncadd.s32 $0xFFFFC000  }
0x26: {  	p0 =	sne.s32 s31, $0x1;
	_ =	swait.ge [sflag:s12], $0x4000  }
.Ltmp0:
0x27: {  	[sflag:s12] =	ssyncset.done $0x0;
	(pc) =	sbr.rel @!p0 .LBB2_2-.Ltmp0, $4  }
0x28: {  	s16 =	sadd.s32 $0x8E4400, s17;
	[sflag:s12] =	ssyncadd.s32 $0xFFFFC000  }
0x29: {  	[hbm4b:s16+s2] =	stream.linear.scatter [tilespmem:s8], [sflag:$0x3], $0x4000, $0x38;
	[tilespmem:$0x8200] =	vst v63  }
0x2a: {  	_ =	swait.ge [sflag:s3], $0x4000  }
0x2b: {  	s17 =	sadd.s32 $0xFFFFFFFF, s31;
	[sflag:s3] =	ssyncset.done $0x0  }
.LBB2_1:
0x2c: {  	p0 =	sne.s32 s17, $0x1;
	s17 =	sadd.s32 $0xFFFFFFFF, s17;
	[sflag:s3] =	ssyncadd.s32 $0xFFFFC000  }
0x2d: {  	[tilespmem:s2], [sflag:$0x3] =	stream.linear.gather [hbm4b:s4+s2], $0x200, $0x38;
	[tilespmem:$0x8200] =	vst v63  }
0x2e: {  	_ =	swait.ge [sflag:s3], $0x200  }
0x2f: {  	[sflag:s3] =	ssyncset.done $0x0  }
0x30: {  	[sflag:s3] =	ssyncadd.s32 $0xFFFFFE00  }
0x31: {  	[tilespmem:s7], [sflag:$0x1] =	stream.indirect.gather [hbm4b:s5+s6], $0x80, s2, s6, $0xb8;
	[tilespmem:$0x8200] =	vst v63  }
0x32: {  	_ = 	snop  }
0x33: {  	[tilespmem:s8], [sflag:$0x2] =	stream.indirect.gather [hbm4b:s5+s6], $0x80, s6, s6, $0xb8;
	[tilespmem:$0x8200] =	vst v63  }
0x34: {  	_ =	swait.ge [sflag:s9], $0x4000  }
0x35: {  	[sflag:s9] =	ssyncset.done $0x0  }
0x36: {  	[sflag:s9] =	ssyncadd.s32 $0xFFFFC000  }
0x37: {  	[hbm4b:s10+s2] =	stream.linear.scatter [tilespmem:s7], [sflag:$0x3], $0x4000, $0x38;
	[tilespmem:$0x8200] =	vst v63  }
0x38: {  	_ =	swait.ge [sflag:s3], $0x4000  }
0x39: {  	[sflag:s3] =	ssyncset.done $0x0  }
0x3a: {  	[sflag:s3] =	ssyncadd.s32 $0xFFFFC000  }
0x3b: {  	[tilespmem:s7], [sflag:$0x1] =	stream.indirect.gather [hbm4b:s5+s6], $0x80, s11, s6, $0xb8;
	[tilespmem:$0x8200] =	vst v63  }
0x3c: {  	_ =	swait.ge [sflag:s12], $0x4000  }
0x3d: {  	[sflag:s12] =	ssyncset.done $0x0  }
0x3e: {  	[sflag:s12] =	ssyncadd.s32 $0xFFFFC000  }
0x3f: {  	[hbm4b:s13+s2] =	stream.linear.scatter [tilespmem:s8], [sflag:$0x3], $0x4000, $0x38;
	[tilespmem:$0x8200] =	vst v63  }
0x40: {  	_ =	swait.ge [sflag:s3], $0x4000  }
0x41: {  	[sflag:s3] =	ssyncset.done $0x0  }
0x42: {  	[sflag:s3] =	ssyncadd.s32 $0xFFFFC000  }
0x43: {  	[tilespmem:s8], [sflag:$0x2] =	stream.indirect.gather [hbm4b:s5+s6], $0x80, s14, s6, $0xb8;
	[tilespmem:$0x8200] =	vst v63  }
0x44: {  	_ =	swait.ge [sflag:s9], $0x4000  }
0x45: {  	[sflag:s9] =	ssyncset.done $0x0  }
0x46: {  	[sflag:s9] =	ssyncadd.s32 $0xFFFFC000  }
0x47: {  	[hbm4b:s15+s2] =	stream.linear.scatter [tilespmem:s7], [sflag:$0x3], $0x4000, $0x38;
	[tilespmem:$0x8200] =	vst v63  }
0x48: {  	_ =	swait.ge [sflag:s3], $0x4000  }
0x49: {  	[sflag:s3] =	ssyncset.done $0x0  }
0x4a: {  	[sflag:s3] =	ssyncadd.s32 $0xFFFFC000  }
0x4b: {  	_ =	swait.ge [sflag:s12], $0x4000  }
.Ltmp1:
0x4c: {  	[sflag:s12] =	ssyncset.done $0x0;
	(pc) =	sbr.rel @p0 .LBB2_1-.Ltmp1, $4  }
0x4d: {  	[sflag:s12] =	ssyncadd.s32 $0xFFFFC000  }
0x4e: {  	[hbm4b:s16+s2] =	stream.linear.scatter [tilespmem:s8], [sflag:$0x3], $0x4000, $0x38;
	[tilespmem:$0x8200] =	vst v63  }
0x4f: {  	_ =	swait.ge [sflag:s3], $0x4000  }
0x50: {  	[sflag:s3] =	ssyncset.done $0x0  }
.LBB2_2:
0x51: {  	[sflag:s3] =	ssyncadd.s32 $0xFFFFC000  }
0x52: {  	_ =	sfence.sel $0x180000  }
0x53: {  	[bflag:$0x0] =	sbarrier.arrive $0xFFFF  }
0x54: {  	p0 =	sne.s32 s0, $0x0;
	_ =	strace $0x9000004A  }
0x55: {  	s0 =	sadd.s32 @!p0 $0x100000, s1;
	[bflag:$0x2] =	sbarrier.arrive $0xFFFF  }
0x56: {  	[sflag:s0] =	ssyncadd.tile.s32 @!p0 $0x1;
	_ =	shalt  }
.Lfunc_end2:
_tile_overlayer_lowered:
.L_overlay_start_2:
0x57: {  	(tag) =	ssettag $0x2  }
0x58: {  	s0 =	rddreg [dreg:$0x0];
	s2 =	stileid.u32  }
0x59: {  	s1 =	rddreg [dreg:$0x1];
	p0 =	sne.s32 s2, $0x0  }
0x5a: {  	s3 =	rddreg [dreg:$0x2];
	[bflag:$0x3] =	sbarrier.arrive $0xFFFF;
	s2 =	simm.s32 @!p0 $0x1C03  }
0x5b: {  	[timem:s3], [sflag:s2] =	dma.local @!p0 [hbm:s0], s1  }
0x5c: {  	s0 =	simm.s32 @!p0 $0x3  }
0x5d: {  	_ =	swait.ge @!p0 [sflag:s0], s1  }
0x5e: {  	s1 =	ssub.s32 @!p0 $0x0, s1;
	[sflag:s0] =	ssyncset.done @!p0 $0x0  }
0x5f: {  	[sflag:s0] =	ssyncadd.s32 @!p0 s1  }
0x60: {  	[bflag:$0x3] =	sbarrier.arrive $0xFFFF  }
0x61: {  	_ =	shalt  }

</sc_bundles>
